<compile_context>
chip_gen: v7x
topology: tpu7x:2x2x1
jax: 0.10.2.dev20260603
libtpu: 0.0.44.dev20260713+nightly
codegen_flags: <defaults>
</compile_context>

<pallas_src>
import functools

import jax
import jax.numpy as jnp
from jax import lax
from jax.experimental import pallas as pl
from jax.experimental.pallas import tpu as pltpu
from jax.experimental.pallas import tpu_sc as plsc

N = 100000
E = 3200000
DX = 128
DE = 16
DU = 64
B = 128
H = 64

NC = 2
NS = 16
NW = NC * NS

RB = 100
KC = 8
CH = KC * RB
EPW = E // NW
ITERS = EPW // CH
NPAD = 100096
NPT = NPAD // NS


def _scatter_body(src_hbm, attr_hbm, zs_hbm, ones_hbm,
                  sums_out, cnt_out, acc_sh, idx_v, attr_v, ones_v):
  core = lax.axis_index("c")
  sub = lax.axis_index("s")
  w = sub * NC + core
  edge_lo = w * EPW
  row_lo = w * (EPW // RB)

  pltpu.sync_copy(ones_hbm, ones_v)
  pltpu.sync_copy(zs_hbm.at[pl.ds(sub * NPT, NPT)],
                  acc_sh.at[pl.ds(sub * NPT, NPT)])
  plsc.subcore_barrier()

  def attr_chunk(i, carry):
    pltpu.sync_copy(src_hbm.at[pl.ds(row_lo + i * KC, KC)], idx_v)
    pltpu.sync_copy(attr_hbm.at[pl.ds(edge_lo + i * CH, CH)], attr_v)
    for j in range(KC):
      pltpu.sync_copy(attr_v.at[pl.ds(j * RB, RB)],
                      acc_sh.at[idx_v.at[j]], add=True)
    return carry

  lax.fori_loop(0, ITERS, attr_chunk, 0)
  plsc.subcore_barrier()

  pltpu.sync_copy(acc_sh.at[pl.ds(sub * NPT, NPT)],
                  sums_out.at[core, pl.ds(sub * NPT, NPT)])
  plsc.subcore_barrier()

  pltpu.sync_copy(zs_hbm.at[pl.ds(sub * NPT, NPT)],
                  acc_sh.at[pl.ds(sub * NPT, NPT)])
  plsc.subcore_barrier()

  def cnt_chunk(i, carry):
    pltpu.sync_copy(src_hbm.at[pl.ds(row_lo + i * KC, KC)], idx_v)
    for j in range(KC):
      pltpu.sync_copy(ones_v, acc_sh.at[idx_v.at[j]], add=True)
    return carry

  lax.fori_loop(0, ITERS, cnt_chunk, 0)
  plsc.subcore_barrier()

  pltpu.sync_copy(acc_sh.at[pl.ds(sub * NPT, NPT)],
                  cnt_out.at[core, pl.ds(sub * NPT, NPT)])


@functools.cache
def _scatter():
  return pl.kernel(
      _scatter_body,
      out_type=[
          jax.ShapeDtypeStruct((NC, NPAD, DE), jnp.float32),
          jax.ShapeDtypeStruct((NC, NPAD, DE), jnp.float32),
      ],
      mesh=plsc.VectorSubcoreMesh(core_axis_name="c", subcore_axis_name="s",
                                  num_cores=NC, num_subcores=NS),
      compiler_params=pltpu.CompilerParams(use_tc_tiling_on_sc=False),
      scratch_types=[
          pltpu.VMEM_SHARED((NPAD, DE), jnp.float32),
          pltpu.VMEM((KC, RB), jnp.int32),
          pltpu.VMEM((CH, DE), jnp.float32),
          pltpu.VMEM((RB, DE), jnp.float32),
      ],
  )


BN = 1000
GRID = N // BN


def _mlp_body(x_ref, s_ref, c_ref, b_ref, u_ref, w1x_ref, w1e_ref, w1u_ref,
              w2_ref, b1_ref, b2_ref, o_ref):
  f32 = jnp.float32
  hi = jax.lax.Precision.HIGHEST
  s = s_ref[0] + s_ref[1]
  c = c_ref[0, :, 0:1] + c_ref[1, :, 0:1]
  ve = s / jnp.maximum(c, 1.0)
  oh = (b_ref[...] == lax.broadcasted_iota(jnp.int32, (1, B), 1)).astype(f32)
  uproj = jnp.dot(u_ref[...], w1u_ref[...], precision=hi,
                  preferred_element_type=f32)
  acc = (jnp.dot(x_ref[...], w1x_ref[...], precision=hi,
                 preferred_element_type=f32)
         + jnp.dot(ve, w1e_ref[...], precision=hi, preferred_element_type=f32)
         + jnp.dot(oh, uproj, precision=hi, preferred_element_type=f32)
         + b1_ref[...])
  h = jnp.maximum(acc, 0.0)
  o_ref[...] = jnp.maximum(
      jnp.dot(h, w2_ref[...], precision=hi, preferred_element_type=f32)
      + b2_ref[...], 0.0)


def _mlp(x, sums, cnts, batch2, u, w1x, w1e, w1u, w2t, b1r, b2r):
  full = lambda shape: pl.BlockSpec(shape, lambda i: tuple(0 for _ in shape))
  return pl.pallas_call(
      _mlp_body,
      grid=(GRID,),
      in_specs=[
          pl.BlockSpec((BN, DX), lambda i: (i, 0)),
          pl.BlockSpec((NC, BN, DE), lambda i: (0, i, 0)),
          pl.BlockSpec((NC, BN, DE), lambda i: (0, i, 0)),
          pl.BlockSpec((BN, 1), lambda i: (i, 0)),
          full((B, DU)),
          full((DX, H)),
          full((DE, H)),
          full((DU, H)),
          full((H, H)),
          full((1, H)),
          full((1, H)),
      ],
      out_specs=pl.BlockSpec((BN, H), lambda i: (i, 0)),
      out_shape=jax.ShapeDtypeStruct((N, H), jnp.float32),
  )(x, sums, cnts, batch2, u, w1x, w1e, w1u, w2t, b1r, b2r)


def kernel(x, edge_index, edge_attr, u, batch, W1, b1, W2, b2):
  src2 = edge_index[0].reshape(E // RB, RB)
  zs = jnp.zeros((NPAD, DE), jnp.float32)
  ones = jnp.zeros((RB, DE), jnp.float32).at[:, 0].set(1.0)
  sums, cnts = _scatter()(src2, edge_attr, zs, ones)

  W1T = W1.T
  return _mlp(x, sums, cnts, batch.reshape(N, 1), u,
              W1T[:DX], W1T[DX:DX + DE], W1T[DX + DE:], W2.T,
              b1.reshape(1, H), b2.reshape(1, H))

# --- scband reference (transcript-rebuilt; emitter-appended) ---
"""Pipeline reference for scband-megnet-node-model-42606075576611 (READ-ONLY COPY).

The authoritative reference and input builder live on the scoring server;
editing this copy changes nothing except your own understanding.
"""

import jax, jax.numpy as jnp
import numpy as np

N = 100000
E = 3200000
DX = 128
DE = 16
DU = 64
B = 128
H = 64
IN_DIM = DX + DE + DU


def setup_inputs(seed: int = 0) -> dict:
    key = jax.random.key(seed)
    ks = jax.random.split(key, 8)
    x = jax.random.normal(ks[0], (N, DX), dtype=jnp.float32)
    edge_index = jax.random.randint(ks[1], (2, E), 0, N, dtype=jnp.int32)
    edge_attr = jax.random.normal(ks[2], (E, DE), dtype=jnp.float32)
    u = jax.random.normal(ks[3], (B, DU), dtype=jnp.float32)
    batch = jnp.sort(jax.random.randint(ks[4], (N,), 0, B, dtype=jnp.int32))
    W1 = jax.random.normal(ks[5], (H, IN_DIM), dtype=jnp.float32) * 0.05
    b1 = jnp.zeros((H,), dtype=jnp.float32)
    W2 = jax.random.normal(ks[6], (H, H), dtype=jnp.float32) * 0.05
    b2 = jnp.zeros((H,), dtype=jnp.float32)
    return {"x": x, "edge_index": edge_index, "edge_attr": edge_attr, "u": u,
            "batch": batch, "W1": W1, "b1": b1, "W2": W2, "b2": b2}


def reference(x, edge_index, edge_attr, u, batch, W1, b1, W2, b2):
    # v_e = scatter_mean(edge_attr, edge_index[0], dim=0) with dim_size=N
    src = edge_index[0, :]
    sums = jax.ops.segment_sum(edge_attr, src, num_segments=N)
    cnt = jax.ops.segment_sum(jnp.ones((E, 1), dtype=jnp.float32), src, num_segments=N)
    v_e = sums / jnp.maximum(cnt, 1.0)
    # comb = cat([x, v_e, u[batch]], dim=1)
    comb = jnp.concatenate([x, v_e, jnp.take(u, batch, axis=0)], axis=1)
    # node_mlp: Linear -> ReLU -> Dropout(0) -> Linear -> ReLU -> Dropout(0)
    h = jax.nn.relu(comb @ W1.T + b1)
    out = jax.nn.relu(h @ W2.T + b2)
    return out

if __name__ == "__main__":
    import jax
    _d = setup_inputs()
    print(jax.jit(kernel)(*tuple(_d.values())))

</pallas_src>

<mosaic_0001>
#map = affine_map<(d0, d1) -> (0, 0)>
#map1 = affine_map<(d0, d1) -> (0, 0, 0)>
module attributes {stable_mosaic.version = 14 : i64} {
  func.func @_scatter_body(%arg0: i32, %arg1: i32, %arg2: memref<32000x100xi32, #tpu.memory_space<hbm>>, %arg3: memref<3200000x16xf32, #tpu.memory_space<hbm>>, %arg4: memref<100096x16xf32, #tpu.memory_space<hbm>>, %arg5: memref<100x16xf32, #tpu.memory_space<hbm>>, %arg6: memref<2x100096x16xf32, #tpu.memory_space<hbm>>, %arg7: memref<2x100096x16xf32, #tpu.memory_space<hbm>>, %arg8: memref<100096x16xf32, #tpu.memory_space<vmem_shared>>, %arg9: memref<8x100xi32, #tpu.memory_space<vmem>>, %arg10: memref<800x16xf32, #tpu.memory_space<vmem>>, %arg11: memref<100x16xf32, #tpu.memory_space<vmem>>) attributes {dimension_semantics = [#tpu.dimension_semantics<core_parallel>, #tpu.dimension_semantics<subcore_parallel>], iteration_bounds = array<i64: 2, 16>, scalar_prefetch = 0 : i64, scratch_operands = 4 : i64, tpu.core_type = #tpu.core_type<sc_vector_subcore>, window_params = [{transform_indices = #map}, {transform_indices = #map}, {transform_indices = #map}, {transform_indices = #map}, {transform_indices = #map1}, {transform_indices = #map1}]} {
    %mul3A = arith.constant 2 : i32
    %mul3A_0 = arith.muli %arg1, %mul3A : i32
    %add3A = arith.addi %mul3A_0, %arg0 : i32
    %mul3A_1 = arith.constant 100000 : i32
    %mul3A_2 = arith.muli %add3A, %mul3A_1 : i32
    %mul3A_3 = arith.constant 1000 : i32
    %mul3A_4 = arith.muli %add3A, %mul3A_3 : i32
    "tpu.region"() ({
      %run_scoped3A = tpu.sem_alloc : memref<!tpu.dma_semaphore, #tpu.memory_space<semaphore_mem>>
      tpu.enqueue_dma source(%arg5 : memref<100x16xf32, #tpu.memory_space<hbm>>) target(%arg11 : memref<100x16xf32, #tpu.memory_space<vmem>>) target_semaphore(%run_scoped3A : memref<!tpu.dma_semaphore, #tpu.memory_space<semaphore_mem>>)
      tpu.wait_dma2 semaphore(%run_scoped3A : memref<!tpu.dma_semaphore, #tpu.memory_space<semaphore_mem>>) src(%arg5 : memref<100x16xf32, #tpu.memory_space<hbm>>) dst(%arg11 : memref<100x16xf32, #tpu.memory_space<vmem>>)
      tpu.yield
    }) : () -> ()
    %mul3A_5 = arith.constant 6256 : i32
    %mul3A_6 = arith.muli %arg1, %mul3A_5 : i32
    %mul3A_7 = arith.constant 6256 : i32
    %mul3A_8 = arith.muli %arg1, %mul3A_7 : i32
    "tpu.region"() ({
      %run_scoped3A = tpu.sem_alloc : memref<!tpu.dma_semaphore, #tpu.memory_space<semaphore_mem>>
      %dma_start3A = arith.constant 0 : i32
      %dma_start3A_36 = tpu.memref_slice %arg8[%mul3A_8, %dma_start3A] : memref<100096x16xf32, #tpu.memory_space<vmem_shared>> -> memref<6256x16xf32, #tpu.memory_space<vmem_shared>>
      %dma_start3A_37 = arith.constant 0 : i32
      %dma_start3A_38 = tpu.memref_slice %arg4[%mul3A_6, %dma_start3A_37] : memref<100096x16xf32, #tpu.memory_space<hbm>> -> memref<6256x16xf32, #tpu.memory_space<hbm>>
      tpu.enqueue_dma source(%dma_start3A_38 : memref<6256x16xf32, #tpu.memory_space<hbm>>) target(%dma_start3A_36 : memref<6256x16xf32, #tpu.memory_space<vmem_shared>>) target_semaphore(%run_scoped3A : memref<!tpu.dma_semaphore, #tpu.memory_space<semaphore_mem>>)
      %dma_wait3A = arith.constant 0 : i32
      %dma_wait3A_39 = tpu.memref_slice %arg8[%mul3A_8, %dma_wait3A] : memref<100096x16xf32, #tpu.memory_space<vmem_shared>> -> memref<6256x16xf32, #tpu.memory_space<vmem_shared>>
      %dma_wait3A_40 = arith.constant 0 : i32
      %dma_wait3A_41 = tpu.memref_slice %arg4[%mul3A_6, %dma_wait3A_40] : memref<100096x16xf32, #tpu.memory_space<hbm>> -> memref<6256x16xf32, #tpu.memory_space<hbm>>
      tpu.wait_dma2 semaphore(%run_scoped3A : memref<!tpu.dma_semaphore, #tpu.memory_space<semaphore_mem>>) src(%dma_wait3A_41 : memref<6256x16xf32, #tpu.memory_space<hbm>>) dst(%dma_wait3A_39 : memref<6256x16xf32, #tpu.memory_space<vmem_shared>>)
      tpu.yield
    }) : () -> ()
    %barrier3A = arith.constant 0 : index
    tpu.barrier barrier_id(%barrier3A)
    %scan3A = arith.constant 0 : i32
    %scan3A_9 = arith.constant 0 : i32
    %scan3A_10 = arith.constant 125 : i32
    %scan3A_11 = arith.addi %scan3A_9, %scan3A_10 : i32
    %scan3A_12 = arith.constant 1 : i32
    scf.for %scan3A_36 = %scan3A_9 to %scan3A_11 step %scan3A_12  : i32 {
      %mul3A_37 = arith.constant 8 : i32
      %mul3A_38 = arith.muli %scan3A_36, %mul3A_37 : i32
      %add3A_39 = arith.addi %mul3A_4, %mul3A_38 : i32
      "tpu.region"() ({
        %run_scoped3A_50 = tpu.sem_alloc : memref<!tpu.dma_semaphore, #tpu.memory_space<semaphore_mem>>
        %dma_start3A = arith.constant 0 : i32
        %dma_start3A_51 = tpu.memref_slice %arg2[%add3A_39, %dma_start3A] : memref<32000x100xi32, #tpu.memory_space<hbm>> -> memref<8x100xi32, #tpu.memory_space<hbm>>
        %dma_start3A_52 = arith.constant 0 : i32
        %dma_start3A_53 = tpu.memref_slice %arg2[%add3A_39, %dma_start3A_52] : memref<32000x100xi32, #tpu.memory_space<hbm>> -> memref<8x100xi32, #tpu.memory_space<hbm>>
        tpu.enqueue_dma source(%dma_start3A_53 : memref<8x100xi32, #tpu.memory_space<hbm>>) target(%arg9 : memref<8x100xi32, #tpu.memory_space<vmem>>) target_semaphore(%run_scoped3A_50 : memref<!tpu.dma_semaphore, #tpu.memory_space<semaphore_mem>>)
        %dma_wait3A = arith.constant 0 : i32
        %dma_wait3A_54 = tpu.memref_slice %arg2[%add3A_39, %dma_wait3A] : memref<32000x100xi32, #tpu.memory_space<hbm>> -> memref<8x100xi32, #tpu.memory_space<hbm>>
        %dma_wait3A_55 = arith.constant 0 : i32
        %dma_wait3A_56 = tpu.memref_slice %arg2[%add3A_39, %dma_wait3A_55] : memref<32000x100xi32, #tpu.memory_space<hbm>> -> memref<8x100xi32, #tpu.memory_space<hbm>>
        tpu.wait_dma2 semaphore(%run_scoped3A_50 : memref<!tpu.dma_semaphore, #tpu.memory_space<semaphore_mem>>) src(%dma_wait3A_56 : memref<8x100xi32, #tpu.memory_space<hbm>>) dst(%arg9 : memref<8x100xi32, #tpu.memory_space<vmem>>)
        tpu.yield
      }) : () -> ()
      %mul3A_40 = arith.constant 800 : i32
      %mul3A_41 = arith.muli %scan3A_36, %mul3A_40 : i32
      %add3A_42 = arith.addi %mul3A_2, %mul3A_41 : i32
      "tpu.region"() ({
        %run_scoped3A_50 = tpu.sem_alloc : memref<!tpu.dma_semaphore, #tpu.memory_space<semaphore_mem>>
        %dma_start3A = arith.constant 0 : i32
        %dma_start3A_51 = tpu.memref_slice %arg3[%add3A_42, %dma_start3A] : memref<3200000x16xf32, #tpu.memory_space<hbm>> -> memref<800x16xf32, #tpu.memory_space<hbm>>
        %dma_start3A_52 = arith.constant 0 : i32
        %dma_start3A_53 = tpu.memref_slice %arg3[%add3A_42, %dma_start3A_52] : memref<3200000x16xf32, #tpu.memory_space<hbm>> -> memref<800x16xf32, #tpu.memory_space<hbm>>
        tpu.enqueue_dma source(%dma_start3A_53 : memref<800x16xf32, #tpu.memory_space<hbm>>) target(%arg10 : memref<800x16xf32, #tpu.memory_space<vmem>>) target_semaphore(%run_scoped3A_50 : memref<!tpu.dma_semaphore, #tpu.memory_space<semaphore_mem>>)
        %dma_wait3A = arith.constant 0 : i32
        %dma_wait3A_54 = tpu.memref_slice %arg3[%add3A_42, %dma_wait3A] : memref<3200000x16xf32, #tpu.memory_space<hbm>> -> memref<800x16xf32, #tpu.memory_space<hbm>>
        %dma_wait3A_55 = arith.constant 0 : i32
        %dma_wait3A_56 = tpu.memref_slice %arg3[%add3A_42, %dma_wait3A_55] : memref<3200000x16xf32, #tpu.memory_space<hbm>> -> memref<800x16xf32, #tpu.memory_space<hbm>>
        tpu.wait_dma2 semaphore(%run_scoped3A_50 : memref<!tpu.dma_semaphore, #tpu.memory_space<semaphore_mem>>) src(%dma_wait3A_56 : memref<800x16xf32, #tpu.memory_space<hbm>>) dst(%arg10 : memref<800x16xf32, #tpu.memory_space<vmem>>)
        tpu.yield
      }) : () -> ()
      %run_scoped3A = arith.constant 0 : i32
      "tpu.region"() ({
        %run_scoped3A_50 = tpu.sem_alloc : memref<!tpu.dma_semaphore, #tpu.memory_space<semaphore_mem>>
        %dma_start3A = arith.constant 0 : i32
        %dma_start3A_51 = arith.constant 0 : i32
        %dma_start3A_52 = tpu.memref_slice %arg10[%dma_start3A, %dma_start3A_51] : memref<800x16xf32, #tpu.memory_space<vmem>> -> memref<100x16xf32, #tpu.memory_space<vmem>>
        %dma_start3A_53 = arith.constant 0 : i32
        %dma_start3A_54 = tpu.memref_slice %arg9[%run_scoped3A, %dma_start3A_53] : memref<8x100xi32, #tpu.memory_space<vmem>> -> memref<1x100xi32, #tpu.memory_space<vmem>>
        %dma_start3A_55 = tpu.memref_squeeze %dma_start3A_54 : memref<1x100xi32, #tpu.memory_space<vmem>> -> memref<100xi32, #tpu.memory_space<vmem>>
        %dma_start3A_56 = arith.constant 0 : i32
        %dma_start3A_57 = arith.constant 0 : i32
        %dma_start3A_58 = tpu.memref_slice %arg8[%dma_start3A_56, %dma_start3A_57] : memref<100096x16xf32, #tpu.memory_space<vmem_shared>> -> memref<100096x16xf32, #tpu.memory_space<vmem_shared>>
        tpu.enqueue_indirect_dma source(%dma_start3A_52 : memref<100x16xf32, #tpu.memory_space<vmem>>) target(%dma_start3A_58 : memref<100096x16xf32, #tpu.memory_space<vmem_shared>>) offsets(%dma_start3A_55 : memref<100xi32, #tpu.memory_space<vmem>>) semaphore(%run_scoped3A_50 : memref<!tpu.dma_semaphore, #tpu.memory_space<semaphore_mem>>) {add = true}
        %dma_wait3A = arith.constant 0 : i32
        %dma_wait3A_59 = arith.constant 0 : i32
        %dma_wait3A_60 = tpu.memref_slice %arg10[%dma_wait3A, %dma_wait3A_59] : memref<800x16xf32, #tpu.memory_space<vmem>> -> memref<100x16xf32, #tpu.memory_space<vmem>>
        %dma_wait3A_61 = arith.constant 0 : i32
        %dma_wait3A_62 = tpu.memref_slice %arg9[%run_scoped3A, %dma_wait3A_61] : memref<8x100xi32, #tpu.memory_space<vmem>> -> memref<1x100xi32, #tpu.memory_space<vmem>>
        %dma_wait3A_63 = tpu.memref_squeeze %dma_wait3A_62 : memref<1x100xi32, #tpu.memory_space<vmem>> -> memref<100xi32, #tpu.memory_space<vmem>>
        %dma_wait3A_64 = arith.constant 0 : i32
        %dma_wait3A_65 = arith.constant 0 : i32
        %dma_wait3A_66 = tpu.memref_slice %arg8[%dma_wait3A_64, %dma_wait3A_65] : memref<100096x16xf32, #tpu.memory_space<vmem_shared>> -> memref<100096x16xf32, #tpu.memory_space<vmem_shared>>
        tpu.wait_indirect_dma semaphore(%run_scoped3A_50 : memref<!tpu.dma_semaphore, #tpu.memory_space<semaphore_mem>>) src(%dma_wait3A_60 : memref<100x16xf32, #tpu.memory_space<vmem>>) dst(%dma_wait3A_66 : memref<100096x16xf32, #tpu.memory_space<vmem_shared>>)
        tpu.yield
      }) : () -> ()
      %run_scoped3A_43 = arith.constant 1 : i32
      "tpu.region"() ({
        %run_scoped3A_50 = tpu.sem_alloc : memref<!tpu.dma_semaphore, #tpu.memory_space<semaphore_mem>>
        %dma_start3A = arith.constant 100 : i32
        %dma_start3A_51 = arith.constant 0 : i32
        %dma_start3A_52 = tpu.memref_slice %arg10[%dma_start3A, %dma_start3A_51] : memref<800x16xf32, #tpu.memory_space<vmem>> -> memref<100x16xf32, #tpu.memory_space<vmem>>
        %dma_start3A_53 = arith.constant 0 : i32
        %dma_start3A_54 = tpu.memref_slice %arg9[%run_scoped3A_43, %dma_start3A_53] : memref<8x100xi32, #tpu.memory_space<vmem>> -> memref<1x100xi32, #tpu.memory_space<vmem>>
        %dma_start3A_55 = tpu.memref_squeeze %dma_start3A_54 : memref<1x100xi32, #tpu.memory_space<vmem>> -> memref<100xi32, #tpu.memory_space<vmem>>
        %dma_start3A_56 = arith.constant 0 : i32
        %dma_start3A_57 = arith.constant 0 : i32
        %dma_start3A_58 = tpu.memref_slice %arg8[%dma_start3A_56, %dma_start3A_57] : memref<100096x16xf32, #tpu.memory_space<vmem_shared>> -> memref<100096x16xf32, #tpu.memory_space<vmem_shared>>
        tpu.enqueue_indirect_dma source(%dma_start3A_52 : memref<100x16xf32, #tpu.memory_space<vmem>>) target(%dma_start3A_58 : memref<100096x16xf32, #tpu.memory_space<vmem_shared>>) offsets(%dma_start3A_55 : memref<100xi32, #tpu.memory_space<vmem>>) semaphore(%run_scoped3A_50 : memref<!tpu.dma_semaphore, #tpu.memory_space<semaphore_mem>>) {add = true}
        %dma_wait3A = arith.constant 100 : i32
        %dma_wait3A_59 = arith.constant 0 : i32
        %dma_wait3A_60 = tpu.memref_slice %arg10[%dma_wait3A, %dma_wait3A_59] : memref<800x16xf32, #tpu.memory_space<vmem>> -> memref<100x16xf32, #tpu.memory_space<vmem>>
        %dma_wait3A_61 = arith.constant 0 : i32
        %dma_wait3A_62 = tpu.memref_slice %arg9[%run_scoped3A_43, %dma_wait3A_61] : memref<8x100xi32, #tpu.memory_space<vmem>> -> memref<1x100xi32, #tpu.memory_space<vmem>>
        %dma_wait3A_63 = tpu.memref_squeeze %dma_wait3A_62 : memref<1x100xi32, #tpu.memory_space<vmem>> -> memref<100xi32, #tpu.memory_space<vmem>>
        %dma_wait3A_64 = arith.constant 0 : i32
        %dma_wait3A_65 = arith.constant 0 : i32
        %dma_wait3A_66 = tpu.memref_slice %arg8[%dma_wait3A_64, %dma_wait3A_65] : memref<100096x16xf32, #tpu.memory_space<vmem_shared>> -> memref<100096x16xf32, #tpu.memory_space<vmem_shared>>
        tpu.wait_indirect_dma semaphore(%run_scoped3A_50 : memref<!tpu.dma_semaphore, #tpu.memory_space<semaphore_mem>>) src(%dma_wait3A_60 : memref<100x16xf32, #tpu.memory_space<vmem>>) dst(%dma_wait3A_66 : memref<100096x16xf32, #tpu.memory_space<vmem_shared>>)
        tpu.yield
      }) : () -> ()
      %run_scoped3A_44 = arith.constant 2 : i32
      "tpu.region"() ({
        %run_scoped3A_50 = tpu.sem_alloc : memref<!tpu.dma_semaphore, #tpu.memory_space<semaphore_mem>>
        %dma_start3A = arith.constant 200 : i32
        %dma_start3A_51 = arith.constant 0 : i32
        %dma_start3A_52 = tpu.memref_slice %arg10[%dma_start3A, %dma_start3A_51] : memref<800x16xf32, #tpu.memory_space<vmem>> -> memref<100x16xf32, #tpu.memory_space<vmem>>
        %dma_start3A_53 = arith.constant 0 : i32
        %dma_start3A_54 = tpu.memref_slice %arg9[%run_scoped3A_44, %dma_start3A_53] : memref<8x100xi32, #tpu.memory_space<vmem>> -> memref<1x100xi32, #tpu.memory_space<vmem>>
        %dma_start3A_55 = tpu.memref_squeeze %dma_start3A_54 : memref<1x100xi32, #tpu.memory_space<vmem>> -> memref<100xi32, #tpu.memory_space<vmem>>
        %dma_start3A_56 = arith.constant 0 : i32
        %dma_start3A_57 = arith.constant 0 : i32
        %dma_start3A_58 = tpu.memref_slice %arg8[%dma_start3A_56, %dma_start3A_57] : memref<100096x16xf32, #tpu.memory_space<vmem_shared>> -> memref<100096x16xf32, #tpu.memory_space<vmem_shared>>
        tpu.enqueue_indirect_dma source(%dma_start3A_52 : memref<100x16xf32, #tpu.memory_space<vmem>>) target(%dma_start3A_58 : memref<100096x16xf32, #tpu.memory_space<vmem_shared>>) offsets(%dma_start3A_55 : memref<100xi32, #tpu.memory_space<vmem>>) semaphore(%run_scoped3A_50 : memref<!tpu.dma_semaphore, #tpu.memory_space<semaphore_mem>>) {add = true}
        %dma_wait3A = arith.constant 200 : i32
        %dma_wait3A_59 = arith.constant 0 : i32
        %dma_wait3A_60 = tpu.memref_slice %arg10[%dma_wait3A, %dma_wait3A_59] : memref<800x16xf32, #tpu.memory_space<vmem>> -> memref<100x16xf32, #tpu.memory_space<vmem>>
        %dma_wait3A_61 = arith.constant 0 : i32
        %dma_wait3A_62 = tpu.memref_slice %arg9[%run_scoped3A_44, %dma_wait3A_61] : memref<8x100xi32, #tpu.memory_space<vmem>> -> memref<1x100xi32, #tpu.memory_space<vmem>>
        %dma_wait3A_63 = tpu.memref_squeeze %dma_wait3A_62 : memref<1x100xi32, #tpu.memory_space<vmem>> -> memref<100xi32, #tpu.memory_space<vmem>>
        %dma_wait3A_64 = arith.constant 0 : i32
        %dma_wait3A_65 = arith.constant 0 : i32
        %dma_wait3A_66 = tpu.memref_slice %arg8[%dma_wait3A_64, %dma_wait3A_65] : memref<100096x16xf32, #tpu.memory_space<vmem_shared>> -> memref<100096x16xf32, #tpu.memory_space<vmem_shared>>
        tpu.wait_indirect_dma semaphore(%run_scoped3A_50 : memref<!tpu.dma_semaphore, #tpu.memory_space<semaphore_mem>>) src(%dma_wait3A_60 : memref<100x16xf32, #tpu.memory_space<vmem>>) dst(%dma_wait3A_66 : memref<100096x16xf32, #tpu.memory_space<vmem_shared>>)
        tpu.yield
      }) : () -> ()
      %run_scoped3A_45 = arith.constant 3 : i32
      "tpu.region"() ({
        %run_scoped3A_50 = tpu.sem_alloc : memref<!tpu.dma_semaphore, #tpu.memory_space<semaphore_mem>>
        %dma_start3A = arith.constant 300 : i32
        %dma_start3A_51 = arith.constant 0 : i32
        %dma_start3A_52 = tpu.memref_slice %arg10[%dma_start3A, %dma_start3A_51] : memref<800x16xf32, #tpu.memory_space<vmem>> -> memref<100x16xf32, #tpu.memory_space<vmem>>
        %dma_start3A_53 = arith.constant 0 : i32
        %dma_start3A_54 = tpu.memref_slice %arg9[%run_scoped3A_45, %dma_start3A_53] : memref<8x100xi32, #tpu.memory_space<vmem>> -> memref<1x100xi32, #tpu.memory_space<vmem>>
        %dma_start3A_55 = tpu.memref_squeeze %dma_start3A_54 : memref<1x100xi32, #tpu.memory_space<vmem>> -> memref<100xi32, #tpu.memory_space<vmem>>
        %dma_start3A_56 = arith.constant 0 : i32
        %dma_start3A_57 = arith.constant 0 : i32
        %dma_start3A_58 = tpu.memref_slice %arg8[%dma_start3A_56, %dma_start3A_57] : memref<100096x16xf32, #tpu.memory_space<vmem_shared>> -> memref<100096x16xf32, #tpu.memory_space<vmem_shared>>
        tpu.enqueue_indirect_dma source(%dma_start3A_52 : memref<100x16xf32, #tpu.memory_space<vmem>>) target(%dma_start3A_58 : memref<100096x16xf32, #tpu.memory_space<vmem_shared>>) offsets(%dma_start3A_55 : memref<100xi32, #tpu.memory_space<vmem>>) semaphore(%run_scoped3A_50 : memref<!tpu.dma_semaphore, #tpu.memory_space<semaphore_mem>>) {add = true}
        %dma_wait3A = arith.constant 300 : i32
        %dma_wait3A_59 = arith.constant 0 : i32
        %dma_wait3A_60 = tpu.memref_slice %arg10[%dma_wait3A, %dma_wait3A_59] : memref<800x16xf32, #tpu.memory_space<vmem>> -> memref<100x16xf32, #tpu.memory_space<vmem>>
        %dma_wait3A_61 = arith.constant 0 : i32
        %dma_wait3A_62 = tpu.memref_slice %arg9[%run_scoped3A_45, %dma_wait3A_61] : memref<8x100xi32, #tpu.memory_space<vmem>> -> memref<1x100xi32, #tpu.memory_space<vmem>>
        %dma_wait3A_63 = tpu.memref_squeeze %dma_wait3A_62 : memref<1x100xi32, #tpu.memory_space<vmem>> -> memref<100xi32, #tpu.memory_space<vmem>>
        %dma_wait3A_64 = arith.constant 0 : i32
        %dma_wait3A_65 = arith.constant 0 : i32
        %dma_wait3A_66 = tpu.memref_slice %arg8[%dma_wait3A_64, %dma_wait3A_65] : memref<100096x16xf32, #tpu.memory_space<vmem_shared>> -> memref<100096x16xf32, #tpu.memory_space<vmem_shared>>
        tpu.wait_indirect_dma semaphore(%run_scoped3A_50 : memref<!tpu.dma_semaphore, #tpu.memory_space<semaphore_mem>>) src(%dma_wait3A_60 : memref<100x16xf32, #tpu.memory_space<vmem>>) dst(%dma_wait3A_66 : memref<100096x16xf32, #tpu.memory_space<vmem_shared>>)
        tpu.yield
      }) : () -> ()
      %run_scoped3A_46 = arith.constant 4 : i32
      "tpu.region"() ({
        %run_scoped3A_50 = tpu.sem_alloc : memref<!tpu.dma_semaphore, #tpu.memory_space<semaphore_mem>>
        %dma_start3A = arith.constant 400 : i32
        %dma_start3A_51 = arith.constant 0 : i32
        %dma_start3A_52 = tpu.memref_slice %arg10[%dma_start3A, %dma_start3A_51] : memref<800x16xf32, #tpu.memory_space<vmem>> -> memref<100x16xf32, #tpu.memory_space<vmem>>
        %dma_start3A_53 = arith.constant 0 : i32
        %dma_start3A_54 = tpu.memref_slice %arg9[%run_scoped3A_46, %dma_start3A_53] : memref<8x100xi32, #tpu.memory_space<vmem>> -> memref<1x100xi32, #tpu.memory_space<vmem>>
        %dma_start3A_55 = tpu.memref_squeeze %dma_start3A_54 : memref<1x100xi32, #tpu.memory_space<vmem>> -> memref<100xi32, #tpu.memory_space<vmem>>
        %dma_start3A_56 = arith.constant 0 : i32
        %dma_start3A_57 = arith.constant 0 : i32
        %dma_start3A_58 = tpu.memref_slice %arg8[%dma_start3A_56, %dma_start3A_57] : memref<100096x16xf32, #tpu.memory_space<vmem_shared>> -> memref<100096x16xf32, #tpu.memory_space<vmem_shared>>
        tpu.enqueue_indirect_dma source(%dma_start3A_52 : memref<100x16xf32, #tpu.memory_space<vmem>>) target(%dma_start3A_58 : memref<100096x16xf32, #tpu.memory_space<vmem_shared>>) offsets(%dma_start3A_55 : memref<100xi32, #tpu.memory_space<vmem>>) semaphore(%run_scoped3A_50 : memref<!tpu.dma_semaphore, #tpu.memory_space<semaphore_mem>>) {add = true}
        %dma_wait3A = arith.constant 400 : i32
        %dma_wait3A_59 = arith.constant 0 : i32
        %dma_wait3A_60 = tpu.memref_slice %arg10[%dma_wait3A, %dma_wait3A_59] : memref<800x16xf32, #tpu.memory_space<vmem>> -> memref<100x16xf32, #tpu.memory_space<vmem>>
        %dma_wait3A_61 = arith.constant 0 : i32
        %dma_wait3A_62 = tpu.memref_slice %arg9[%run_scoped3A_46, %dma_wait3A_61] : memref<8x100xi32, #tpu.memory_space<vmem>> -> memref<1x100xi32, #tpu.memory_space<vmem>>
        %dma_wait3A_63 = tpu.memref_squeeze %dma_wait3A_62 : memref<1x100xi32, #tpu.memory_space<vmem>> -> memref<100xi32, #tpu.memory_space<vmem>>
        %dma_wait3A_64 = arith.constant 0 : i32
        %dma_wait3A_65 = arith.constant 0 : i32
        %dma_wait3A_66 = tpu.memref_slice %arg8[%dma_wait3A_64, %dma_wait3A_65] : memref<100096x16xf32, #tpu.memory_space<vmem_shared>> -> memref<100096x16xf32, #tpu.memory_space<vmem_shared>>
        tpu.wait_indirect_dma semaphore(%run_scoped3A_50 : memref<!tpu.dma_semaphore, #tpu.memory_space<semaphore_mem>>) src(%dma_wait3A_60 : memref<100x16xf32, #tpu.memory_space<vmem>>) dst(%dma_wait3A_66 : memref<100096x16xf32, #tpu.memory_space<vmem_shared>>)
        tpu.yield
      }) : () -> ()
      %run_scoped3A_47 = arith.constant 5 : i32
      "tpu.region"() ({
        %run_scoped3A_50 = tpu.sem_alloc : memref<!tpu.dma_semaphore, #tpu.memory_space<semaphore_mem>>
        %dma_start3A = arith.constant 500 : i32
        %dma_start3A_51 = arith.constant 0 : i32
        %dma_start3A_52 = tpu.memref_slice %arg10[%dma_start3A, %dma_start3A_51] : memref<800x16xf32, #tpu.memory_space<vmem>> -> memref<100x16xf32, #tpu.memory_space<vmem>>
        %dma_start3A_53 = arith.constant 0 : i32
        %dma_start3A_54 = tpu.memref_slice %arg9[%run_scoped3A_47, %dma_start3A_53] : memref<8x100xi32, #tpu.memory_space<vmem>> -> memref<1x100xi32, #tpu.memory_space<vmem>>
        %dma_start3A_55 = tpu.memref_squeeze %dma_start3A_54 : memref<1x100xi32, #tpu.memory_space<vmem>> -> memref<100xi32, #tpu.memory_space<vmem>>
        %dma_start3A_56 = arith.constant 0 : i32
        %dma_start3A_57 = arith.constant 0 : i32
        %dma_start3A_58 = tpu.memref_slice %arg8[%dma_start3A_56, %dma_start3A_57] : memref<100096x16xf32, #tpu.memory_space<vmem_shared>> -> memref<100096x16xf32, #tpu.memory_space<vmem_shared>>
        tpu.enqueue_indirect_dma source(%dma_start3A_52 : memref<100x16xf32, #tpu.memory_space<vmem>>) target(%dma_start3A_58 : memref<100096x16xf32, #tpu.memory_space<vmem_shared>>) offsets(%dma_start3A_55 : memref<100xi32, #tpu.memory_space<vmem>>) semaphore(%run_scoped3A_50 : memref<!tpu.dma_semaphore, #tpu.memory_space<semaphore_mem>>) {add = true}
        %dma_wait3A = arith.constant 500 : i32
        %dma_wait3A_59 = arith.constant 0 : i32
        %dma_wait3A_60 = tpu.memref_slice %arg10[%dma_wait3A, %dma_wait3A_59] : memref<800x16xf32, #tpu.memory_space<vmem>> -> memref<100x16xf32, #tpu.memory_space<vmem>>
        %dma_wait3A_61 = arith.constant 0 : i32
        %dma_wait3A_62 = tpu.memref_slice %arg9[%run_scoped3A_47, %dma_wait3A_61] : memref<8x100xi32, #tpu.memory_space<vmem>> -> memref<1x100xi32, #tpu.memory_space<vmem>>
        %dma_wait3A_63 = tpu.memref_squeeze %dma_wait3A_62 : memref<1x100xi32, #tpu.memory_space<vmem>> -> memref<100xi32, #tpu.memory_space<vmem>>
        %dma_wait3A_64 = arith.constant 0 : i32
        %dma_wait3A_65 = arith.constant 0 : i32
        %dma_wait3A_66 = tpu.memref_slice %arg8[%dma_wait3A_64, %dma_wait3A_65] : memref<100096x16xf32, #tpu.memory_space<vmem_shared>> -> memref<100096x16xf32, #tpu.memory_space<vmem_shared>>
        tpu.wait_indirect_dma semaphore(%run_scoped3A_50 : memref<!tpu.dma_semaphore, #tpu.memory_space<semaphore_mem>>) src(%dma_wait3A_60 : memref<100x16xf32, #tpu.memory_space<vmem>>) dst(%dma_wait3A_66 : memref<100096x16xf32, #tpu.memory_space<vmem_shared>>)
        tpu.yield
      }) : () -> ()
      %run_scoped3A_48 = arith.constant 6 : i32
      "tpu.region"() ({
        %run_scoped3A_50 = tpu.sem_alloc : memref<!tpu.dma_semaphore, #tpu.memory_space<semaphore_mem>>
        %dma_start3A = arith.constant 600 : i32
        %dma_start3A_51 = arith.constant 0 : i32
        %dma_start3A_52 = tpu.memref_slice %arg10[%dma_start3A, %dma_start3A_51] : memref<800x16xf32, #tpu.memory_space<vmem>> -> memref<100x16xf32, #tpu.memory_space<vmem>>
        %dma_start3A_53 = arith.constant 0 : i32
        %dma_start3A_54 = tpu.memref_slice %arg9[%run_scoped3A_48, %dma_start3A_53] : memref<8x100xi32, #tpu.memory_space<vmem>> -> memref<1x100xi32, #tpu.memory_space<vmem>>
        %dma_start3A_55 = tpu.memref_squeeze %dma_start3A_54 : memref<1x100xi32, #tpu.memory_space<vmem>> -> memref<100xi32, #tpu.memory_space<vmem>>
        %dma_start3A_56 = arith.constant 0 : i32
        %dma_start3A_57 = arith.constant 0 : i32
        %dma_start3A_58 = tpu.memref_slice %arg8[%dma_start3A_56, %dma_start3A_57] : memref<100096x16xf32, #tpu.memory_space<vmem_shared>> -> memref<100096x16xf32, #tpu.memory_space<vmem_shared>>
        tpu.enqueue_indirect_dma source(%dma_start3A_52 : memref<100x16xf32, #tpu.memory_space<vmem>>) target(%dma_start3A_58 : memref<100096x16xf32, #tpu.memory_space<vmem_shared>>) offsets(%dma_start3A_55 : memref<100xi32, #tpu.memory_space<vmem>>) semaphore(%run_scoped3A_50 : memref<!tpu.dma_semaphore, #tpu.memory_space<semaphore_mem>>) {add = true}
        %dma_wait3A = arith.constant 600 : i32
        %dma_wait3A_59 = arith.constant 0 : i32
        %dma_wait3A_60 = tpu.memref_slice %arg10[%dma_wait3A, %dma_wait3A_59] : memref<800x16xf32, #tpu.memory_space<vmem>> -> memref<100x16xf32, #tpu.memory_space<vmem>>
        %dma_wait3A_61 = arith.constant 0 : i32
        %dma_wait3A_62 = tpu.memref_slice %arg9[%run_scoped3A_48, %dma_wait3A_61] : memref<8x100xi32, #tpu.memory_space<vmem>> -> memref<1x100xi32, #tpu.memory_space<vmem>>
        %dma_wait3A_63 = tpu.memref_squeeze %dma_wait3A_62 : memref<1x100xi32, #tpu.memory_space<vmem>> -> memref<100xi32, #tpu.memory_space<vmem>>
        %dma_wait3A_64 = arith.constant 0 : i32
        %dma_wait3A_65 = arith.constant 0 : i32
        %dma_wait3A_66 = tpu.memref_slice %arg8[%dma_wait3A_64, %dma_wait3A_65] : memref<100096x16xf32, #tpu.memory_space<vmem_shared>> -> memref<100096x16xf32, #tpu.memory_space<vmem_shared>>
        tpu.wait_indirect_dma semaphore(%run_scoped3A_50 : memref<!tpu.dma_semaphore, #tpu.memory_space<semaphore_mem>>) src(%dma_wait3A_60 : memref<100x16xf32, #tpu.memory_space<vmem>>) dst(%dma_wait3A_66 : memref<100096x16xf32, #tpu.memory_space<vmem_shared>>)
        tpu.yield
      }) : () -> ()
      %run_scoped3A_49 = arith.constant 7 : i32
      "tpu.region"() ({
        %run_scoped3A_50 = tpu.sem_alloc : memref<!tpu.dma_semaphore, #tpu.memory_space<semaphore_mem>>
        %dma_start3A = arith.constant 700 : i32
        %dma_start3A_51 = arith.constant 0 : i32
        %dma_start3A_52 = tpu.memref_slice %arg10[%dma_start3A, %dma_start3A_51] : memref<800x16xf32, #tpu.memory_space<vmem>> -> memref<100x16xf32, #tpu.memory_space<vmem>>
        %dma_start3A_53 = arith.constant 0 : i32
        %dma_start3A_54 = tpu.memref_slice %arg9[%run_scoped3A_49, %dma_start3A_53] : memref<8x100xi32, #tpu.memory_space<vmem>> -> memref<1x100xi32, #tpu.memory_space<vmem>>
        %dma_start3A_55 = tpu.memref_squeeze %dma_start3A_54 : memref<1x100xi32, #tpu.memory_space<vmem>> -> memref<100xi32, #tpu.memory_space<vmem>>
        %dma_start3A_56 = arith.constant 0 : i32
        %dma_start3A_57 = arith.constant 0 : i32
        %dma_start3A_58 = tpu.memref_slice %arg8[%dma_start3A_56, %dma_start3A_57] : memref<100096x16xf32, #tpu.memory_space<vmem_shared>> -> memref<100096x16xf32, #tpu.memory_space<vmem_shared>>
        tpu.enqueue_indirect_dma source(%dma_start3A_52 : memref<100x16xf32, #tpu.memory_space<vmem>>) target(%dma_start3A_58 : memref<100096x16xf32, #tpu.memory_space<vmem_shared>>) offsets(%dma_start3A_55 : memref<100xi32, #tpu.memory_space<vmem>>) semaphore(%run_scoped3A_50 : memref<!tpu.dma_semaphore, #tpu.memory_space<semaphore_mem>>) {add = true}
        %dma_wait3A = arith.constant 700 : i32
        %dma_wait3A_59 = arith.constant 0 : i32
        %dma_wait3A_60 = tpu.memref_slice %arg10[%dma_wait3A, %dma_wait3A_59] : memref<800x16xf32, #tpu.memory_space<vmem>> -> memref<100x16xf32, #tpu.memory_space<vmem>>
        %dma_wait3A_61 = arith.constant 0 : i32
        %dma_wait3A_62 = tpu.memref_slice %arg9[%run_scoped3A_49, %dma_wait3A_61] : memref<8x100xi32, #tpu.memory_space<vmem>> -> memref<1x100xi32, #tpu.memory_space<vmem>>
        %dma_wait3A_63 = tpu.memref_squeeze %dma_wait3A_62 : memref<1x100xi32, #tpu.memory_space<vmem>> -> memref<100xi32, #tpu.memory_space<vmem>>
        %dma_wait3A_64 = arith.constant 0 : i32
        %dma_wait3A_65 = arith.constant 0 : i32
        %dma_wait3A_66 = tpu.memref_slice %arg8[%dma_wait3A_64, %dma_wait3A_65] : memref<100096x16xf32, #tpu.memory_space<vmem_shared>> -> memref<100096x16xf32, #tpu.memory_space<vmem_shared>>
        tpu.wait_indirect_dma semaphore(%run_scoped3A_50 : memref<!tpu.dma_semaphore, #tpu.memory_space<semaphore_mem>>) src(%dma_wait3A_60 : memref<100x16xf32, #tpu.memory_space<vmem>>) dst(%dma_wait3A_66 : memref<100096x16xf32, #tpu.memory_space<vmem_shared>>)
        tpu.yield
      }) : () -> ()
    }
    %scan3A_13 = arith.constant 125 : i32
    %barrier3A_14 = arith.constant 0 : index
    tpu.barrier barrier_id(%barrier3A_14)
    %mul3A_15 = arith.constant 6256 : i32
    %mul3A_16 = arith.muli %arg1, %mul3A_15 : i32
    %mul3A_17 = arith.constant 6256 : i32
    %mul3A_18 = arith.muli %arg1, %mul3A_17 : i32
    "tpu.region"() ({
      %run_scoped3A = tpu.sem_alloc : memref<!tpu.dma_semaphore, #tpu.memory_space<semaphore_mem>>
      %dma_start3A = arith.constant 0 : i32
      %dma_start3A_36 = tpu.memref_slice %arg6[%arg0, %mul3A_18, %dma_start3A] : memref<2x100096x16xf32, #tpu.memory_space<hbm>> -> memref<1x6256x16xf32, #tpu.memory_space<hbm>>
      %dma_start3A_37 = tpu.memref_squeeze %dma_start3A_36 : memref<1x6256x16xf32, #tpu.memory_space<hbm>> -> memref<6256x16xf32, #tpu.memory_space<hbm>>
      %dma_start3A_38 = arith.constant 0 : i32
      %dma_start3A_39 = tpu.memref_slice %arg8[%mul3A_16, %dma_start3A_38] : memref<100096x16xf32, #tpu.memory_space<vmem_shared>> -> memref<6256x16xf32, #tpu.memory_space<vmem_shared>>
      tpu.enqueue_dma source(%dma_start3A_39 : memref<6256x16xf32, #tpu.memory_space<vmem_shared>>) target(%dma_start3A_37 : memref<6256x16xf32, #tpu.memory_space<hbm>>) target_semaphore(%run_scoped3A : memref<!tpu.dma_semaphore, #tpu.memory_space<semaphore_mem>>)
      %dma_wait3A = arith.constant 0 : i32
      %dma_wait3A_40 = tpu.memref_slice %arg6[%arg0, %mul3A_18, %dma_wait3A] : memref<2x100096x16xf32, #tpu.memory_space<hbm>> -> memref<1x6256x16xf32, #tpu.memory_space<hbm>>
      %dma_wait3A_41 = tpu.memref_squeeze %dma_wait3A_40 : memref<1x6256x16xf32, #tpu.memory_space<hbm>> -> memref<6256x16xf32, #tpu.memory_space<hbm>>
      %dma_wait3A_42 = arith.constant 0 : i32
      %dma_wait3A_43 = tpu.memref_slice %arg8[%mul3A_16, %dma_wait3A_42] : memref<100096x16xf32, #tpu.memory_space<vmem_shared>> -> memref<6256x16xf32, #tpu.memory_space<vmem_shared>>
      tpu.wait_dma2 semaphore(%run_scoped3A : memref<!tpu.dma_semaphore, #tpu.memory_space<semaphore_mem>>) src(%dma_wait3A_43 : memref<6256x16xf32, #tpu.memory_space<vmem_shared>>) dst(%dma_wait3A_41 : memref<6256x16xf32, #tpu.memory_space<hbm>>)
      tpu.yield
    }) : () -> ()
    %barrier3A_19 = arith.constant 0 : index
    tpu.barrier barrier_id(%barrier3A_19)
    %mul3A_20 = arith.constant 6256 : i32
    %mul3A_21 = arith.muli %arg1, %mul3A_20 : i32
    %mul3A_22 = arith.constant 6256 : i32
    %mul3A_23 = arith.muli %arg1, %mul3A_22 : i32
    "tpu.region"() ({
      %run_scoped3A = tpu.sem_alloc : memref<!tpu.dma_semaphore, #tpu.memory_space<semaphore_mem>>
      %dma_start3A = arith.constant 0 : i32
      %dma_start3A_36 = tpu.memref_slice %arg8[%mul3A_23, %dma_start3A] : memref<100096x16xf32, #tpu.memory_space<vmem_shared>> -> memref<6256x16xf32, #tpu.memory_space<vmem_shared>>
      %dma_start3A_37 = arith.constant 0 : i32
      %dma_start3A_38 = tpu.memref_slice %arg4[%mul3A_21, %dma_start3A_37] : memref<100096x16xf32, #tpu.memory_space<hbm>> -> memref<6256x16xf32, #tpu.memory_space<hbm>>
      tpu.enqueue_dma source(%dma_start3A_38 : memref<6256x16xf32, #tpu.memory_space<hbm>>) target(%dma_start3A_36 : memref<6256x16xf32, #tpu.memory_space<vmem_shared>>) target_semaphore(%run_scoped3A : memref<!tpu.dma_semaphore, #tpu.memory_space<semaphore_mem>>)
      %dma_wait3A = arith.constant 0 : i32
      %dma_wait3A_39 = tpu.memref_slice %arg8[%mul3A_23, %dma_wait3A] : memref<100096x16xf32, #tpu.memory_space<vmem_shared>> -> memref<6256x16xf32, #tpu.memory_space<vmem_shared>>
      %dma_wait3A_40 = arith.constant 0 : i32
      %dma_wait3A_41 = tpu.memref_slice %arg4[%mul3A_21, %dma_wait3A_40] : memref<100096x16xf32, #tpu.memory_space<hbm>> -> memref<6256x16xf32, #tpu.memory_space<hbm>>
      tpu.wait_dma2 semaphore(%run_scoped3A : memref<!tpu.dma_semaphore, #tpu.memory_space<semaphore_mem>>) src(%dma_wait3A_41 : memref<6256x16xf32, #tpu.memory_space<hbm>>) dst(%dma_wait3A_39 : memref<6256x16xf32, #tpu.memory_space<vmem_shared>>)
      tpu.yield
    }) : () -> ()
    %barrier3A_24 = arith.constant 0 : index
    tpu.barrier barrier_id(%barrier3A_24)
    %scan3A_25 = arith.constant 0 : i32
    %scan3A_26 = arith.constant 0 : i32
    %scan3A_27 = arith.constant 125 : i32
    %scan3A_28 = arith.addi %scan3A_26, %scan3A_27 : i32
    %scan3A_29 = arith.constant 1 : i32
    scf.for %scan3A_36 = %scan3A_26 to %scan3A_28 step %scan3A_29  : i32 {
      %mul3A_37 = arith.constant 8 : i32
      %mul3A_38 = arith.muli %scan3A_36, %mul3A_37 : i32
      %add3A_39 = arith.addi %mul3A_4, %mul3A_38 : i32
      "tpu.region"() ({
        %run_scoped3A_47 = tpu.sem_alloc : memref<!tpu.dma_semaphore, #tpu.memory_space<semaphore_mem>>
        %dma_start3A = arith.constant 0 : i32
        %dma_start3A_48 = tpu.memref_slice %arg2[%add3A_39, %dma_start3A] : memref<32000x100xi32, #tpu.memory_space<hbm>> -> memref<8x100xi32, #tpu.memory_space<hbm>>
        %dma_start3A_49 = arith.constant 0 : i32
        %dma_start3A_50 = tpu.memref_slice %arg2[%add3A_39, %dma_start3A_49] : memref<32000x100xi32, #tpu.memory_space<hbm>> -> memref<8x100xi32, #tpu.memory_space<hbm>>
        tpu.enqueue_dma source(%dma_start3A_50 : memref<8x100xi32, #tpu.memory_space<hbm>>) target(%arg9 : memref<8x100xi32, #tpu.memory_space<vmem>>) target_semaphore(%run_scoped3A_47 : memref<!tpu.dma_semaphore, #tpu.memory_space<semaphore_mem>>)
        %dma_wait3A = arith.constant 0 : i32
        %dma_wait3A_51 = tpu.memref_slice %arg2[%add3A_39, %dma_wait3A] : memref<32000x100xi32, #tpu.memory_space<hbm>> -> memref<8x100xi32, #tpu.memory_space<hbm>>
        %dma_wait3A_52 = arith.constant 0 : i32
        %dma_wait3A_53 = tpu.memref_slice %arg2[%add3A_39, %dma_wait3A_52] : memref<32000x100xi32, #tpu.memory_space<hbm>> -> memref<8x100xi32, #tpu.memory_space<hbm>>
        tpu.wait_dma2 semaphore(%run_scoped3A_47 : memref<!tpu.dma_semaphore, #tpu.memory_space<semaphore_mem>>) src(%dma_wait3A_53 : memref<8x100xi32, #tpu.memory_space<hbm>>) dst(%arg9 : memref<8x100xi32, #tpu.memory_space<vmem>>)
        tpu.yield
      }) : () -> ()
      %run_scoped3A = arith.constant 0 : i32
      "tpu.region"() ({
        %run_scoped3A_47 = tpu.sem_alloc : memref<!tpu.dma_semaphore, #tpu.memory_space<semaphore_mem>>
        %dma_start3A = arith.constant 0 : i32
        %dma_start3A_48 = tpu.memref_slice %arg9[%run_scoped3A, %dma_start3A] : memref<8x100xi32, #tpu.memory_space<vmem>> -> memref<1x100xi32, #tpu.memory_space<vmem>>
        %dma_start3A_49 = tpu.memref_squeeze %dma_start3A_48 : memref<1x100xi32, #tpu.memory_space<vmem>> -> memref<100xi32, #tpu.memory_space<vmem>>
        %dma_start3A_50 = arith.constant 0 : i32
        %dma_start3A_51 = arith.constant 0 : i32
        %dma_start3A_52 = tpu.memref_slice %arg8[%dma_start3A_50, %dma_start3A_51] : memref<100096x16xf32, #tpu.memory_space<vmem_shared>> -> memref<100096x16xf32, #tpu.memory_space<vmem_shared>>
        tpu.enqueue_indirect_dma source(%arg11 : memref<100x16xf32, #tpu.memory_space<vmem>>) target(%dma_start3A_52 : memref<100096x16xf32, #tpu.memory_space<vmem_shared>>) offsets(%dma_start3A_49 : memref<100xi32, #tpu.memory_space<vmem>>) semaphore(%run_scoped3A_47 : memref<!tpu.dma_semaphore, #tpu.memory_space<semaphore_mem>>) {add = true}
        %dma_wait3A = arith.constant 0 : i32
        %dma_wait3A_53 = tpu.memref_slice %arg9[%run_scoped3A, %dma_wait3A] : memref<8x100xi32, #tpu.memory_space<vmem>> -> memref<1x100xi32, #tpu.memory_space<vmem>>
        %dma_wait3A_54 = tpu.memref_squeeze %dma_wait3A_53 : memref<1x100xi32, #tpu.memory_space<vmem>> -> memref<100xi32, #tpu.memory_space<vmem>>
        %dma_wait3A_55 = arith.constant 0 : i32
        %dma_wait3A_56 = arith.constant 0 : i32
        %dma_wait3A_57 = tpu.memref_slice %arg8[%dma_wait3A_55, %dma_wait3A_56] : memref<100096x16xf32, #tpu.memory_space<vmem_shared>> -> memref<100096x16xf32, #tpu.memory_space<vmem_shared>>
        tpu.wait_indirect_dma semaphore(%run_scoped3A_47 : memref<!tpu.dma_semaphore, #tpu.memory_space<semaphore_mem>>) src(%arg11 : memref<100x16xf32, #tpu.memory_space<vmem>>) dst(%dma_wait3A_57 : memref<100096x16xf32, #tpu.memory_space<vmem_shared>>)
        tpu.yield
      }) : () -> ()
      %run_scoped3A_40 = arith.constant 1 : i32
      "tpu.region"() ({
        %run_scoped3A_47 = tpu.sem_alloc : memref<!tpu.dma_semaphore, #tpu.memory_space<semaphore_mem>>
        %dma_start3A = arith.constant 0 : i32
        %dma_start3A_48 = tpu.memref_slice %arg9[%run_scoped3A_40, %dma_start3A] : memref<8x100xi32, #tpu.memory_space<vmem>> -> memref<1x100xi32, #tpu.memory_space<vmem>>
        %dma_start3A_49 = tpu.memref_squeeze %dma_start3A_48 : memref<1x100xi32, #tpu.memory_space<vmem>> -> memref<100xi32, #tpu.memory_space<vmem>>
        %dma_start3A_50 = arith.constant 0 : i32
        %dma_start3A_51 = arith.constant 0 : i32
        %dma_start3A_52 = tpu.memref_slice %arg8[%dma_start3A_50, %dma_start3A_51] : memref<100096x16xf32, #tpu.memory_space<vmem_shared>> -> memref<100096x16xf32, #tpu.memory_space<vmem_shared>>
        tpu.enqueue_indirect_dma source(%arg11 : memref<100x16xf32, #tpu.memory_space<vmem>>) target(%dma_start3A_52 : memref<100096x16xf32, #tpu.memory_space<vmem_shared>>) offsets(%dma_start3A_49 : memref<100xi32, #tpu.memory_space<vmem>>) semaphore(%run_scoped3A_47 : memref<!tpu.dma_semaphore, #tpu.memory_space<semaphore_mem>>) {add = true}
        %dma_wait3A = arith.constant 0 : i32
        %dma_wait3A_53 = tpu.memref_slice %arg9[%run_scoped3A_40, %dma_wait3A] : memref<8x100xi32, #tpu.memory_space<vmem>> -> memref<1x100xi32, #tpu.memory_space<vmem>>
        %dma_wait3A_54 = tpu.memref_squeeze %dma_wait3A_53 : memref<1x100xi32, #tpu.memory_space<vmem>> -> memref<100xi32, #tpu.memory_space<vmem>>
        %dma_wait3A_55 = arith.constant 0 : i32
        %dma_wait3A_56 = arith.constant 0 : i32
        %dma_wait3A_57 = tpu.memref_slice %arg8[%dma_wait3A_55, %dma_wait3A_56] : memref<100096x16xf32, #tpu.memory_space<vmem_shared>> -> memref<100096x16xf32, #tpu.memory_space<vmem_shared>>
        tpu.wait_indirect_dma semaphore(%run_scoped3A_47 : memref<!tpu.dma_semaphore, #tpu.memory_space<semaphore_mem>>) src(%arg11 : memref<100x16xf32, #tpu.memory_space<vmem>>) dst(%dma_wait3A_57 : memref<100096x16xf32, #tpu.memory_space<vmem_shared>>)
        tpu.yield
      }) : () -> ()
      %run_scoped3A_41 = arith.constant 2 : i32
      "tpu.region"() ({
        %run_scoped3A_47 = tpu.sem_alloc : memref<!tpu.dma_semaphore, #tpu.memory_space<semaphore_mem>>
        %dma_start3A = arith.constant 0 : i32
        %dma_start3A_48 = tpu.memref_slice %arg9[%run_scoped3A_41, %dma_start3A] : memref<8x100xi32, #tpu.memory_space<vmem>> -> memref<1x100xi32, #tpu.memory_space<vmem>>
        %dma_start3A_49 = tpu.memref_squeeze %dma_start3A_48 : memref<1x100xi32, #tpu.memory_space<vmem>> -> memref<100xi32, #tpu.memory_space<vmem>>
        %dma_start3A_50 = arith.constant 0 : i32
        %dma_start3A_51 = arith.constant 0 : i32
        %dma_start3A_52 = tpu.memref_slice %arg8[%dma_start3A_50, %dma_start3A_51] : memref<100096x16xf32, #tpu.memory_space<vmem_shared>> -> memref<100096x16xf32, #tpu.memory_space<vmem_shared>>
        tpu.enqueue_indirect_dma source(%arg11 : memref<100x16xf32, #tpu.memory_space<vmem>>) target(%dma_start3A_52 : memref<100096x16xf32, #tpu.memory_space<vmem_shared>>) offsets(%dma_start3A_49 : memref<100xi32, #tpu.memory_space<vmem>>) semaphore(%run_scoped3A_47 : memref<!tpu.dma_semaphore, #tpu.memory_space<semaphore_mem>>) {add = true}
        %dma_wait3A = arith.constant 0 : i32
        %dma_wait3A_53 = tpu.memref_slice %arg9[%run_scoped3A_41, %dma_wait3A] : memref<8x100xi32, #tpu.memory_space<vmem>> -> memref<1x100xi32, #tpu.memory_space<vmem>>
        %dma_wait3A_54 = tpu.memref_squeeze %dma_wait3A_53 : memref<1x100xi32, #tpu.memory_space<vmem>> -> memref<100xi32, #tpu.memory_space<vmem>>
        %dma_wait3A_55 = arith.constant 0 : i32
        %dma_wait3A_56 = arith.constant 0 : i32
        %dma_wait3A_57 = tpu.memref_slice %arg8[%dma_wait3A_55, %dma_wait3A_56] : memref<100096x16xf32, #tpu.memory_space<vmem_shared>> -> memref<100096x16xf32, #tpu.memory_space<vmem_shared>>
        tpu.wait_indirect_dma semaphore(%run_scoped3A_47 : memref<!tpu.dma_semaphore, #tpu.memory_space<semaphore_mem>>) src(%arg11 : memref<100x16xf32, #tpu.memory_space<vmem>>) dst(%dma_wait3A_57 : memref<100096x16xf32, #tpu.memory_space<vmem_shared>>)
        tpu.yield
      }) : () -> ()
      %run_scoped3A_42 = arith.constant 3 : i32
      "tpu.region"() ({
        %run_scoped3A_47 = tpu.sem_alloc : memref<!tpu.dma_semaphore, #tpu.memory_space<semaphore_mem>>
        %dma_start3A = arith.constant 0 : i32
        %dma_start3A_48 = tpu.memref_slice %arg9[%run_scoped3A_42, %dma_start3A] : memref<8x100xi32, #tpu.memory_space<vmem>> -> memref<1x100xi32, #tpu.memory_space<vmem>>
        %dma_start3A_49 = tpu.memref_squeeze %dma_start3A_48 : memref<1x100xi32, #tpu.memory_space<vmem>> -> memref<100xi32, #tpu.memory_space<vmem>>
        %dma_start3A_50 = arith.constant 0 : i32
        %dma_start3A_51 = arith.constant 0 : i32
        %dma_start3A_52 = tpu.memref_slice %arg8[%dma_start3A_50, %dma_start3A_51] : memref<100096x16xf32, #tpu.memory_space<vmem_shared>> -> memref<100096x16xf32, #tpu.memory_space<vmem_shared>>
        tpu.enqueue_indirect_dma source(%arg11 : memref<100x16xf32, #tpu.memory_space<vmem>>) target(%dma_start3A_52 : memref<100096x16xf32, #tpu.memory_space<vmem_shared>>) offsets(%dma_start3A_49 : memref<100xi32, #tpu.memory_space<vmem>>) semaphore(%run_scoped3A_47 : memref<!tpu.dma_semaphore, #tpu.memory_space<semaphore_mem>>) {add = true}
        %dma_wait3A = arith.constant 0 : i32
        %dma_wait3A_53 = tpu.memref_slice %arg9[%run_scoped3A_42, %dma_wait3A] : memref<8x100xi32, #tpu.memory_space<vmem>> -> memref<1x100xi32, #tpu.memory_space<vmem>>
        %dma_wait3A_54 = tpu.memref_squeeze %dma_wait3A_53 : memref<1x100xi32, #tpu.memory_space<vmem>> -> memref<100xi32, #tpu.memory_space<vmem>>
        %dma_wait3A_55 = arith.constant 0 : i32
        %dma_wait3A_56 = arith.constant 0 : i32
        %dma_wait3A_57 = tpu.memref_slice %arg8[%dma_wait3A_55, %dma_wait3A_56] : memref<100096x16xf32, #tpu.memory_space<vmem_shared>> -> memref<100096x16xf32, #tpu.memory_space<vmem_shared>>
        tpu.wait_indirect_dma semaphore(%run_scoped3A_47 : memref<!tpu.dma_semaphore, #tpu.memory_space<semaphore_mem>>) src(%arg11 : memref<100x16xf32, #tpu.memory_space<vmem>>) dst(%dma_wait3A_57 : memref<100096x16xf32, #tpu.memory_space<vmem_shared>>)
        tpu.yield
      }) : () -> ()
      %run_scoped3A_43 = arith.constant 4 : i32
      "tpu.region"() ({
        %run_scoped3A_47 = tpu.sem_alloc : memref<!tpu.dma_semaphore, #tpu.memory_space<semaphore_mem>>
        %dma_start3A = arith.constant 0 : i32
        %dma_start3A_48 = tpu.memref_slice %arg9[%run_scoped3A_43, %dma_start3A] : memref<8x100xi32, #tpu.memory_space<vmem>> -> memref<1x100xi32, #tpu.memory_space<vmem>>
        %dma_start3A_49 = tpu.memref_squeeze %dma_start3A_48 : memref<1x100xi32, #tpu.memory_space<vmem>> -> memref<100xi32, #tpu.memory_space<vmem>>
        %dma_start3A_50 = arith.constant 0 : i32
        %dma_start3A_51 = arith.constant 0 : i32
        %dma_start3A_52 = tpu.memref_slice %arg8[%dma_start3A_50, %dma_start3A_51] : memref<100096x16xf32, #tpu.memory_space<vmem_shared>> -> memref<100096x16xf32, #tpu.memory_space<vmem_shared>>
        tpu.enqueue_indirect_dma source(%arg11 : memref<100x16xf32, #tpu.memory_space<vmem>>) target(%dma_start3A_52 : memref<100096x16xf32, #tpu.memory_space<vmem_shared>>) offsets(%dma_start3A_49 : memref<100xi32, #tpu.memory_space<vmem>>) semaphore(%run_scoped3A_47 : memref<!tpu.dma_semaphore, #tpu.memory_space<semaphore_mem>>) {add = true}
        %dma_wait3A = arith.constant 0 : i32
        %dma_wait3A_53 = tpu.memref_slice %arg9[%run_scoped3A_43, %dma_wait3A] : memref<8x100xi32, #tpu.memory_space<vmem>> -> memref<1x100xi32, #tpu.memory_space<vmem>>
        %dma_wait3A_54 = tpu.memref_squeeze %dma_wait3A_53 : memref<1x100xi32, #tpu.memory_space<vmem>> -> memref<100xi32, #tpu.memory_space<vmem>>
        %dma_wait3A_55 = arith.constant 0 : i32
        %dma_wait3A_56 = arith.constant 0 : i32
        %dma_wait3A_57 = tpu.memref_slice %arg8[%dma_wait3A_55, %dma_wait3A_56] : memref<100096x16xf32, #tpu.memory_space<vmem_shared>> -> memref<100096x16xf32, #tpu.memory_space<vmem_shared>>
        tpu.wait_indirect_dma semaphore(%run_scoped3A_47 : memref<!tpu.dma_semaphore, #tpu.memory_space<semaphore_mem>>) src(%arg11 : memref<100x16xf32, #tpu.memory_space<vmem>>) dst(%dma_wait3A_57 : memref<100096x16xf32, #tpu.memory_space<vmem_shared>>)
        tpu.yield
      }) : () -> ()
      %run_scoped3A_44 = arith.constant 5 : i32
      "tpu.region"() ({
        %run_scoped3A_47 = tpu.sem_alloc : memref<!tpu.dma_semaphore, #tpu.memory_space<semaphore_mem>>
        %dma_start3A = arith.constant 0 : i32
        %dma_start3A_48 = tpu.memref_slice %arg9[%run_scoped3A_44, %dma_start3A] : memref<8x100xi32, #tpu.memory_space<vmem>> -> memref<1x100xi32, #tpu.memory_space<vmem>>
        %dma_start3A_49 = tpu.memref_squeeze %dma_start3A_48 : memref<1x100xi32, #tpu.memory_space<vmem>> -> memref<100xi32, #tpu.memory_space<vmem>>
        %dma_start3A_50 = arith.constant 0 : i32
        %dma_start3A_51 = arith.constant 0 : i32
        %dma_start3A_52 = tpu.memref_slice %arg8[%dma_start3A_50, %dma_start3A_51] : memref<100096x16xf32, #tpu.memory_space<vmem_shared>> -> memref<100096x16xf32, #tpu.memory_space<vmem_shared>>
        tpu.enqueue_indirect_dma source(%arg11 : memref<100x16xf32, #tpu.memory_space<vmem>>) target(%dma_start3A_52 : memref<100096x16xf32, #tpu.memory_space<vmem_shared>>) offsets(%dma_start3A_49 : memref<100xi32, #tpu.memory_space<vmem>>) semaphore(%run_scoped3A_47 : memref<!tpu.dma_semaphore, #tpu.memory_space<semaphore_mem>>) {add = true}
        %dma_wait3A = arith.constant 0 : i32
        %dma_wait3A_53 = tpu.memref_slice %arg9[%run_scoped3A_44, %dma_wait3A] : memref<8x100xi32, #tpu.memory_space<vmem>> -> memref<1x100xi32, #tpu.memory_space<vmem>>
        %dma_wait3A_54 = tpu.memref_squeeze %dma_wait3A_53 : memref<1x100xi32, #tpu.memory_space<vmem>> -> memref<100xi32, #tpu.memory_space<vmem>>
        %dma_wait3A_55 = arith.constant 0 : i32
        %dma_wait3A_56 = arith.constant 0 : i32
        %dma_wait3A_57 = tpu.memref_slice %arg8[%dma_wait3A_55, %dma_wait3A_56] : memref<100096x16xf32, #tpu.memory_space<vmem_shared>> -> memref<100096x16xf32, #tpu.memory_space<vmem_shared>>
        tpu.wait_indirect_dma semaphore(%run_scoped3A_47 : memref<!tpu.dma_semaphore, #tpu.memory_space<semaphore_mem>>) src(%arg11 : memref<100x16xf32, #tpu.memory_space<vmem>>) dst(%dma_wait3A_57 : memref<100096x16xf32, #tpu.memory_space<vmem_shared>>)
        tpu.yield
      }) : () -> ()
      %run_scoped3A_45 = arith.constant 6 : i32
      "tpu.region"() ({
        %run_scoped3A_47 = tpu.sem_alloc : memref<!tpu.dma_semaphore, #tpu.memory_space<semaphore_mem>>
        %dma_start3A = arith.constant 0 : i32
        %dma_start3A_48 = tpu.memref_slice %arg9[%run_scoped3A_45, %dma_start3A] : memref<8x100xi32, #tpu.memory_space<vmem>> -> memref<1x100xi32, #tpu.memory_space<vmem>>
        %dma_start3A_49 = tpu.memref_squeeze %dma_start3A_48 : memref<1x100xi32, #tpu.memory_space<vmem>> -> memref<100xi32, #tpu.memory_space<vmem>>
        %dma_start3A_50 = arith.constant 0 : i32
        %dma_start3A_51 = arith.constant 0 : i32
        %dma_start3A_52 = tpu.memref_slice %arg8[%dma_start3A_50, %dma_start3A_51] : memref<100096x16xf32, #tpu.memory_space<vmem_shared>> -> memref<100096x16xf32, #tpu.memory_space<vmem_shared>>
        tpu.enqueue_indirect_dma source(%arg11 : memref<100x16xf32, #tpu.memory_space<vmem>>) target(%dma_start3A_52 : memref<100096x16xf32, #tpu.memory_space<vmem_shared>>) offsets(%dma_start3A_49 : memref<100xi32, #tpu.memory_space<vmem>>) semaphore(%run_scoped3A_47 : memref<!tpu.dma_semaphore, #tpu.memory_space<semaphore_mem>>) {add = true}
        %dma_wait3A = arith.constant 0 : i32
        %dma_wait3A_53 = tpu.memref_slice %arg9[%run_scoped3A_45, %dma_wait3A] : memref<8x100xi32, #tpu.memory_space<vmem>> -> memref<1x100xi32, #tpu.memory_space<vmem>>
        %dma_wait3A_54 = tpu.memref_squeeze %dma_wait3A_53 : memref<1x100xi32, #tpu.memory_space<vmem>> -> memref<100xi32, #tpu.memory_space<vmem>>
        %dma_wait3A_55 = arith.constant 0 : i32
        %dma_wait3A_56 = arith.constant 0 : i32
        %dma_wait3A_57 = tpu.memref_slice %arg8[%dma_wait3A_55, %dma_wait3A_56] : memref<100096x16xf32, #tpu.memory_space<vmem_shared>> -> memref<100096x16xf32, #tpu.memory_space<vmem_shared>>
        tpu.wait_indirect_dma semaphore(%run_scoped3A_47 : memref<!tpu.dma_semaphore, #tpu.memory_space<semaphore_mem>>) src(%arg11 : memref<100x16xf32, #tpu.memory_space<vmem>>) dst(%dma_wait3A_57 : memref<100096x16xf32, #tpu.memory_space<vmem_shared>>)
        tpu.yield
      }) : () -> ()
      %run_scoped3A_46 = arith.constant 7 : i32
      "tpu.region"() ({
        %run_scoped3A_47 = tpu.sem_alloc : memref<!tpu.dma_semaphore, #tpu.memory_space<semaphore_mem>>
        %dma_start3A = arith.constant 0 : i32
        %dma_start3A_48 = tpu.memref_slice %arg9[%run_scoped3A_46, %dma_start3A] : memref<8x100xi32, #tpu.memory_space<vmem>> -> memref<1x100xi32, #tpu.memory_space<vmem>>
        %dma_start3A_49 = tpu.memref_squeeze %dma_start3A_48 : memref<1x100xi32, #tpu.memory_space<vmem>> -> memref<100xi32, #tpu.memory_space<vmem>>
        %dma_start3A_50 = arith.constant 0 : i32
        %dma_start3A_51 = arith.constant 0 : i32
        %dma_start3A_52 = tpu.memref_slice %arg8[%dma_start3A_50, %dma_start3A_51] : memref<100096x16xf32, #tpu.memory_space<vmem_shared>> -> memref<100096x16xf32, #tpu.memory_space<vmem_shared>>
        tpu.enqueue_indirect_dma source(%arg11 : memref<100x16xf32, #tpu.memory_space<vmem>>) target(%dma_start3A_52 : memref<100096x16xf32, #tpu.memory_space<vmem_shared>>) offsets(%dma_start3A_49 : memref<100xi32, #tpu.memory_space<vmem>>) semaphore(%run_scoped3A_47 : memref<!tpu.dma_semaphore, #tpu.memory_space<semaphore_mem>>) {add = true}
        %dma_wait3A = arith.constant 0 : i32
        %dma_wait3A_53 = tpu.memref_slice %arg9[%run_scoped3A_46, %dma_wait3A] : memref<8x100xi32, #tpu.memory_space<vmem>> -> memref<1x100xi32, #tpu.memory_space<vmem>>
        %dma_wait3A_54 = tpu.memref_squeeze %dma_wait3A_53 : memref<1x100xi32, #tpu.memory_space<vmem>> -> memref<100xi32, #tpu.memory_space<vmem>>
        %dma_wait3A_55 = arith.constant 0 : i32
        %dma_wait3A_56 = arith.constant 0 : i32
        %dma_wait3A_57 = tpu.memref_slice %arg8[%dma_wait3A_55, %dma_wait3A_56] : memref<100096x16xf32, #tpu.memory_space<vmem_shared>> -> memref<100096x16xf32, #tpu.memory_space<vmem_shared>>
        tpu.wait_indirect_dma semaphore(%run_scoped3A_47 : memref<!tpu.dma_semaphore, #tpu.memory_space<semaphore_mem>>) src(%arg11 : memref<100x16xf32, #tpu.memory_space<vmem>>) dst(%dma_wait3A_57 : memref<100096x16xf32, #tpu.memory_space<vmem_shared>>)
        tpu.yield
      }) : () -> ()
    }
    %scan3A_30 = arith.constant 125 : i32
    %barrier3A_31 = arith.constant 0 : index
    tpu.barrier barrier_id(%barrier3A_31)
    %mul3A_32 = arith.constant 6256 : i32
    %mul3A_33 = arith.muli %arg1, %mul3A_32 : i32
    %mul3A_34 = arith.constant 6256 : i32
    %mul3A_35 = arith.muli %arg1, %mul3A_34 : i32
    "tpu.region"() ({
      %run_scoped3A = tpu.sem_alloc : memref<!tpu.dma_semaphore, #tpu.memory_space<semaphore_mem>>
      %dma_start3A = arith.constant 0 : i32
      %dma_start3A_36 = tpu.memref_slice %arg7[%arg0, %mul3A_35, %dma_start3A] : memref<2x100096x16xf32, #tpu.memory_space<hbm>> -> memref<1x6256x16xf32, #tpu.memory_space<hbm>>
      %dma_start3A_37 = tpu.memref_squeeze %dma_start3A_36 : memref<1x6256x16xf32, #tpu.memory_space<hbm>> -> memref<6256x16xf32, #tpu.memory_space<hbm>>
      %dma_start3A_38 = arith.constant 0 : i32
      %dma_start3A_39 = tpu.memref_slice %arg8[%mul3A_33, %dma_start3A_38] : memref<100096x16xf32, #tpu.memory_space<vmem_shared>> -> memref<6256x16xf32, #tpu.memory_space<vmem_shared>>
      tpu.enqueue_dma source(%dma_start3A_39 : memref<6256x16xf32, #tpu.memory_space<vmem_shared>>) target(%dma_start3A_37 : memref<6256x16xf32, #tpu.memory_space<hbm>>) target_semaphore(%run_scoped3A : memref<!tpu.dma_semaphore, #tpu.memory_space<semaphore_mem>>)
      %dma_wait3A = arith.constant 0 : i32
      %dma_wait3A_40 = tpu.memref_slice %arg7[%arg0, %mul3A_35, %dma_wait3A] : memref<2x100096x16xf32, #tpu.memory_space<hbm>> -> memref<1x6256x16xf32, #tpu.memory_space<hbm>>
      %dma_wait3A_41 = tpu.memref_squeeze %dma_wait3A_40 : memref<1x6256x16xf32, #tpu.memory_space<hbm>> -> memref<6256x16xf32, #tpu.memory_space<hbm>>
      %dma_wait3A_42 = arith.constant 0 : i32
      %dma_wait3A_43 = tpu.memref_slice %arg8[%mul3A_33, %dma_wait3A_42] : memref<100096x16xf32, #tpu.memory_space<vmem_shared>> -> memref<6256x16xf32, #tpu.memory_space<vmem_shared>>
      tpu.wait_dma2 semaphore(%run_scoped3A : memref<!tpu.dma_semaphore, #tpu.memory_space<semaphore_mem>>) src(%dma_wait3A_43 : memref<6256x16xf32, #tpu.memory_space<vmem_shared>>) dst(%dma_wait3A_41 : memref<6256x16xf32, #tpu.memory_space<hbm>>)
      tpu.yield
    }) : () -> ()
    return
  }
}

module attributes {stable_mosaic.version = 14 : i64} {
  func.func @_mlp_body(%arg0: i32, %arg1: memref<1000x128xf32, #tpu.memory_space<vmem>>, %arg2: memref<2x1000x16xf32, #tpu.memory_space<vmem>>, %arg3: memref<2x1000x16xf32, #tpu.memory_space<vmem>>, %arg4: memref<1000x1xi32, #tpu.memory_space<vmem>>, %arg5: memref<128x64xf32, #tpu.memory_space<vmem>>, %arg6: memref<128x64xf32, #tpu.memory_space<vmem>>, %arg7: memref<16x64xf32, #tpu.memory_space<vmem>>, %arg8: memref<64x64xf32, #tpu.memory_space<vmem>>, %arg9: memref<64x64xf32, #tpu.memory_space<vmem>>, %arg10: memref<1x64xf32, #tpu.memory_space<vmem>>, %arg11: memref<1x64xf32, #tpu.memory_space<vmem>>, %arg12: memref<1000x64xf32, #tpu.memory_space<vmem>>) attributes {dimension_semantics = [#tpu.dimension_semantics<arbitrary>], iteration_bounds = array<i64: 100>, scalar_prefetch = 0 : i64, scratch_operands = 0 : i64, tpu.core_type = #tpu.core_type<tc>, window_params = [{transform_indices = @transform_0, window_bounds = array<i64: 1000, 128>}, {transform_indices = @transform_1, window_bounds = array<i64: 2, 1000, 16>}, {transform_indices = @transform_2, window_bounds = array<i64: 2, 1000, 16>}, {transform_indices = @transform_3, window_bounds = array<i64: 1000, 1>}, {pipeline_mode = #tpu.pipeline_mode<synchronous>, transform_indices = @transform_4, window_bounds = array<i64: 128, 64>}, {pipeline_mode = #tpu.pipeline_mode<synchronous>, transform_indices = @transform_5, window_bounds = array<i64: 128, 64>}, {pipeline_mode = #tpu.pipeline_mode<synchronous>, transform_indices = @transform_6, window_bounds = array<i64: 16, 64>}, {pipeline_mode = #tpu.pipeline_mode<synchronous>, transform_indices = @transform_7, window_bounds = array<i64: 64, 64>}, {pipeline_mode = #tpu.pipeline_mode<synchronous>, transform_indices = @transform_8, window_bounds = array<i64: 64, 64>}, {pipeline_mode = #tpu.pipeline_mode<synchronous>, transform_indices = @transform_9, window_bounds = array<i64: 1, 64>}, {pipeline_mode = #tpu.pipeline_mode<synchronous>, transform_indices = @transform_10, window_bounds = array<i64: 1, 64>}, {transform_indices = @transform_11, window_bounds = array<i64: 1000, 64>}]} {
    %get3A = arith.constant 0 : index
    %get3A_0 = arith.constant 0 : index
    %get3A_1 = arith.constant 0 : index
    %get3A_2 = vector.load %arg2[%get3A, %get3A_0, %get3A_1] : memref<2x1000x16xf32, #tpu.memory_space<vmem>>, vector<1x1000x16xf32>
    %get3A_3 = vector.shape_cast %get3A_2 : vector<1x1000x16xf32> to vector<1000x16xf32>
    %get3A_4 = arith.constant 1 : index
    %get3A_5 = arith.constant 0 : index
    %get3A_6 = arith.constant 0 : index
    %get3A_7 = vector.load %arg2[%get3A_4, %get3A_5, %get3A_6] : memref<2x1000x16xf32, #tpu.memory_space<vmem>>, vector<1x1000x16xf32>
    %get3A_8 = vector.shape_cast %get3A_7 : vector<1x1000x16xf32> to vector<1000x16xf32>
    %add3A = arith.addf %get3A_3, %get3A_8 : vector<1000x16xf32>
    %get3A_9 = arith.constant 0 : index
    %get3A_10 = arith.constant 0 : index
    %get3A_11 = arith.constant 0 : index
    %get3A_12 = vector.load %arg3[%get3A_9, %get3A_10, %get3A_11] : memref<2x1000x16xf32, #tpu.memory_space<vmem>>, vector<1x1000x1xf32>
    %get3A_13 = vector.shape_cast %get3A_12 : vector<1x1000x1xf32> to vector<1000x1xf32>
    %get3A_14 = arith.constant 1 : index
    %get3A_15 = arith.constant 0 : index
    %get3A_16 = arith.constant 0 : index
    %get3A_17 = vector.load %arg3[%get3A_14, %get3A_15, %get3A_16] : memref<2x1000x16xf32, #tpu.memory_space<vmem>>, vector<1x1000x1xf32>
    %get3A_18 = vector.shape_cast %get3A_17 : vector<1x1000x1xf32> to vector<1000x1xf32>
    %add3A_19 = arith.addf %get3A_13, %get3A_18 : vector<1000x1xf32>
    %max3A = arith.constant 1.000000e+00 : f32
    %max3A_20 = vector.broadcast %max3A : f32 to vector<1000x1xf32>
    %max3A_21 = arith.maximumf %add3A_19, %max3A_20 : vector<1000x1xf32>
    %div3A = vector.broadcast %max3A_21 : vector<1000x1xf32> to vector<1000x16xf32>
    %div3A_22 = arith.divf %add3A, %div3A : vector<1000x16xf32>
    %get3A_23 = arith.constant 0 : index
    %get3A_24 = arith.constant 0 : index
    %get3A_25 = vector.load %arg4[%get3A_23, %get3A_24] : memref<1000x1xi32, #tpu.memory_space<vmem>>, vector<1000x1xi32>
    %iota3A = tpu.iota {dimensions = array<i32: 1>} : vector<1x128xi32>
    %eq3A = vector.broadcast %get3A_25 : vector<1000x1xi32> to vector<1000x128xi32>
    %eq3A_26 = vector.broadcast %iota3A : vector<1x128xi32> to vector<1000x128xi32>
    %eq3A_27 = arith.cmpi eq, %eq3A, %eq3A_26 : vector<1000x128xi32>
    %convert_element_type3A = arith.extui %eq3A_27 : vector<1000x128xi1> to vector<1000x128xi32>
    %convert_element_type3A_28 = arith.sitofp %convert_element_type3A : vector<1000x128xi32> to vector<1000x128xf32>
    %get3A_29 = arith.constant 0 : index
    %get3A_30 = arith.constant 0 : index
    %get3A_31 = vector.load %arg5[%get3A_29, %get3A_30] : memref<128x64xf32, #tpu.memory_space<vmem>>, vector<128x64xf32>
    %get3A_32 = arith.constant 0 : index
    %get3A_33 = arith.constant 0 : index
    %get3A_34 = vector.load %arg8[%get3A_32, %get3A_33] : memref<64x64xf32, #tpu.memory_space<vmem>>, vector<64x64xf32>
    %dot_general3A = arith.constant dense<0.000000e+00> : vector<128x64xf32>
    %dot_general3A_35 = tpu.matmul %get3A_31, %get3A_34, %dot_general3A {dimension_numbers = #tpu.dot_dimension_numbers<[1], [0], [0], [1], [0, 0, 1, 1], [], []>, precision = #tpu.contract_precision<fp32>, transpose_lhs_hint = false} : vector<128x64xf32>, vector<64x64xf32>, vector<128x64xf32> -> vector<128x64xf32>
    %get3A_36 = arith.constant 0 : index
    %get3A_37 = arith.constant 0 : index
    %get3A_38 = vector.load %arg1[%get3A_36, %get3A_37] : memref<1000x128xf32, #tpu.memory_space<vmem>>, vector<1000x128xf32>
    %get3A_39 = arith.constant 0 : index
    %get3A_40 = arith.constant 0 : index
    %get3A_41 = vector.load %arg6[%get3A_39, %get3A_40] : memref<128x64xf32, #tpu.memory_space<vmem>>, vector<128x64xf32>
    %dot_general3A_42 = arith.constant dense<0.000000e+00> : vector<1000x64xf32>
    %dot_general3A_43 = tpu.matmul %get3A_38, %get3A_41, %dot_general3A_42 {dimension_numbers = #tpu.dot_dimension_numbers<[1], [0], [0], [1], [0, 0, 1, 1], [], []>, precision = #tpu.contract_precision<fp32>, transpose_lhs_hint = false} : vector<1000x128xf32>, vector<128x64xf32>, vector<1000x64xf32> -> vector<1000x64xf32>
    %get3A_44 = arith.constant 0 : index
    %get3A_45 = arith.constant 0 : index
    %get3A_46 = vector.load %arg7[%get3A_44, %get3A_45] : memref<16x64xf32, #tpu.memory_space<vmem>>, vector<16x64xf32>
    %dot_general3A_47 = arith.constant dense<0.000000e+00> : vector<1000x64xf32>
    %dot_general3A_48 = tpu.matmul %div3A_22, %get3A_46, %dot_general3A_47 {dimension_numbers = #tpu.dot_dimension_numbers<[1], [0], [0], [1], [0, 0, 1, 1], [], []>, precision = #tpu.contract_precision<fp32>, transpose_lhs_hint = false} : vector<1000x16xf32>, vector<16x64xf32>, vector<1000x64xf32> -> vector<1000x64xf32>
    %add3A_49 = arith.addf %dot_general3A_43, %dot_general3A_48 : vector<1000x64xf32>
    %dot_general3A_50 = arith.constant dense<0.000000e+00> : vector<1000x64xf32>
    %dot_general3A_51 = tpu.matmul %convert_element_type3A_28, %dot_general3A_35, %dot_general3A_50 {dimension_numbers = #tpu.dot_dimension_numbers<[1], [0], [0], [1], [0, 0, 1, 1], [], []>, precision = #tpu.contract_precision<fp32>, transpose_lhs_hint = false} : vector<1000x128xf32>, vector<128x64xf32>, vector<1000x64xf32> -> vector<1000x64xf32>
    %add3A_52 = arith.addf %add3A_49, %dot_general3A_51 : vector<1000x64xf32>
    %get3A_53 = arith.constant 0 : index
    %get3A_54 = arith.constant 0 : index
    %get3A_55 = vector.load %arg10[%get3A_53, %get3A_54] : memref<1x64xf32, #tpu.memory_space<vmem>>, vector<1x64xf32>
    %add3A_56 = vector.broadcast %get3A_55 : vector<1x64xf32> to vector<1000x64xf32>
    %add3A_57 = arith.addf %add3A_52, %add3A_56 : vector<1000x64xf32>
    %max3A_58 = arith.constant 0.000000e+00 : f32
    %max3A_59 = vector.broadcast %max3A_58 : f32 to vector<1000x64xf32>
    %max3A_60 = arith.maximumf %add3A_57, %max3A_59 : vector<1000x64xf32>
    %get3A_61 = arith.constant 0 : index
    %get3A_62 = arith.constant 0 : index
    %get3A_63 = vector.load %arg9[%get3A_61, %get3A_62] : memref<64x64xf32, #tpu.memory_space<vmem>>, vector<64x64xf32>
    %dot_general3A_64 = arith.constant dense<0.000000e+00> : vector<1000x64xf32>
    %dot_general3A_65 = tpu.matmul %max3A_60, %get3A_63, %dot_general3A_64 {dimension_numbers = #tpu.dot_dimension_numbers<[1], [0], [0], [1], [0, 0, 1, 1], [], []>, precision = #tpu.contract_precision<fp32>, transpose_lhs_hint = false} : vector<1000x64xf32>, vector<64x64xf32>, vector<1000x64xf32> -> vector<1000x64xf32>
    %get3A_66 = arith.constant 0 : index
    %get3A_67 = arith.constant 0 : index
    %get3A_68 = vector.load %arg11[%get3A_66, %get3A_67] : memref<1x64xf32, #tpu.memory_space<vmem>>, vector<1x64xf32>
    %add3A_69 = vector.broadcast %get3A_68 : vector<1x64xf32> to vector<1000x64xf32>
    %add3A_70 = arith.addf %dot_general3A_65, %add3A_69 : vector<1000x64xf32>
    %max3A_71 = arith.constant 0.000000e+00 : f32
    %max3A_72 = vector.broadcast %max3A_71 : f32 to vector<1000x64xf32>
    %max3A_73 = arith.maximumf %add3A_70, %max3A_72 : vector<1000x64xf32>
    %swap3A = arith.constant 0 : index
    %swap3A_74 = arith.constant 0 : index
    %swap3A_75 = vector.load %arg12[%swap3A, %swap3A_74] : memref<1000x64xf32, #tpu.memory_space<vmem>>, vector<1000x64xf32>
    tpu.vector_store %arg12[%swap3A, %swap3A_74], %max3A_73 {strides = array<i32>} : memref<1000x64xf32, #tpu.memory_space<vmem>>, vector<1000x64xf32>,
    return
  }
  func.func @transform_0(%arg0: i32) -> (i32, i32) {
    %c0_i32 = arith.constant 0 : i32
    %c0_i32_0 = arith.constant 0 : i32
    return %arg0, %c0_i32 : i32, i32
  }
  func.func @transform_1(%arg0: i32) -> (i32, i32, i32) {
    %c0_i32 = arith.constant 0 : i32
    %c0_i32_0 = arith.constant 0 : i32
    %c0_i32_1 = arith.constant 0 : i32
    return %c0_i32, %arg0, %c0_i32_0 : i32, i32, i32
  }
  func.func @transform_2(%arg0: i32) -> (i32, i32, i32) {
    %c0_i32 = arith.constant 0 : i32
    %c0_i32_0 = arith.constant 0 : i32
    %c0_i32_1 = arith.constant 0 : i32
    return %c0_i32, %arg0, %c0_i32_0 : i32, i32, i32
  }
  func.func @transform_3(%arg0: i32) -> (i32, i32) {
    %c0_i32 = arith.constant 0 : i32
    %c0_i32_0 = arith.constant 0 : i32
    return %arg0, %c0_i32 : i32, i32
  }
  func.func @transform_4(%arg0: i32) -> (i32, i32) {
    %c0_i32 = arith.constant 0 : i32
    %c0_i32_0 = arith.constant 0 : i32
    %c0_i32_1 = arith.constant 0 : i32
    return %c0_i32, %c0_i32_0 : i32, i32
  }
  func.func @transform_5(%arg0: i32) -> (i32, i32) {
    %c0_i32 = arith.constant 0 : i32
    %c0_i32_0 = arith.constant 0 : i32
    %c0_i32_1 = arith.constant 0 : i32
    return %c0_i32, %c0_i32_0 : i32, i32
  }
  func.func @transform_6(%arg0: i32) -> (i32, i32) {
    %c0_i32 = arith.constant 0 : i32
    %c0_i32_0 = arith.constant 0 : i32
    %c0_i32_1 = arith.constant 0 : i32
    return %c0_i32, %c0_i32_0 : i32, i32
  }
  func.func @transform_7(%arg0: i32) -> (i32, i32) {
    %c0_i32 = arith.constant 0 : i32
    %c0_i32_0 = arith.constant 0 : i32
    %c0_i32_1 = arith.constant 0 : i32
    return %c0_i32, %c0_i32_0 : i32, i32
  }
  func.func @transform_8(%arg0: i32) -> (i32, i32) {
    %c0_i32 = arith.constant 0 : i32
    %c0_i32_0 = arith.constant 0 : i32
    %c0_i32_1 = arith.constant 0 : i32
    return %c0_i32, %c0_i32_0 : i32, i32
  }
  func.func @transform_9(%arg0: i32) -> (i32, i32) {
    %c0_i32 = arith.constant 0 : i32
    %c0_i32_0 = arith.constant 0 : i32
    %c0_i32_1 = arith.constant 0 : i32
    return %c0_i32, %c0_i32_0 : i32, i32
  }
  func.func @transform_10(%arg0: i32) -> (i32, i32) {
    %c0_i32 = arith.constant 0 : i32
    %c0_i32_0 = arith.constant 0 : i32
    %c0_i32_1 = arith.constant 0 : i32
    return %c0_i32, %c0_i32_0 : i32, i32
  }
  func.func @transform_11(%arg0: i32) -> (i32, i32) {
    %c0_i32 = arith.constant 0 : i32
    %c0_i32_0 = arith.constant 0 : i32
    return %arg0, %c0_i32 : i32, i32
  }
}

</mosaic_0001>

<sc_bundles>
// kernel: kernel.4.cloned.1.call-start
scs
__scs_entry_jumppad:
0x0: {  	(pc) =	sbr.rel $0x88, $3  }
0x1: {  	(tag) =	ssettag $0x0;
	lr =	simm.s32 $0x1  }
0x2: {  	[smem:$0x3F98] =	sst lr;
	_ =	strace $0xD0000000  }
0x3: {  	_ = 	snop  }
0x4: {  	_ = 	snop  }
0x5: {  	_ = 	snop  }
0x6: {  	_ = 	snop  }
0x7: {  	_ = 	snop  }
__scs_overlays_trampoline_lowered:
0x8: {  	[smem:$0x3FA7] =	sst s0  }
0x9: {  	[smem:$0x3FA8] =	sst s1  }
0xa: {  	[smem:$0x3FA9] =	sst s2  }
0xb: {  	[smem:$0x3FAA] =	sst s3  }
0xc: {  	[smem:$0x3FAB] =	sst s4  }
0xd: {  	[smem:$0x3FAC] =	sst s5  }
0xe: {  	[smem:$0x3FAD] =	sst s6  }
0xf: {  	[smem:$0x3FAE] =	sst s7  }
0x10: {  	[smem:$0x3FAF] =	sst s8  }
0x11: {  	[smem:$0x3FB0] =	sst s9;
	s0 =	simm.s32 @!p0 $0x0  }
0x12: {  	s1 =	sld [smem:$0x3F96];
	s0 =	simm.s32 @p0 $0x1  }
0x13: {  	[smem:$0x3FB1] =	sst s0;
	s0 =	simm.s32 @!p1 $0x0  }
0x14: {  	s2 =	sld [smem:$0x3F95];
	s0 =	simm.s32 @p1 $0x1  }
0x15: {  	[smem:$0x3FB2] =	sst s0;
	s0 =	simm.s32 @!p2 $0x0  }
0x16: {  	s3 =	sld [smem:$0x3FDB];
	s0 =	simm.s32 @p2 $0x1  }
0x17: {  	s4 =	simm.s32 $0x1BF5;
	[smem:$0x3FB4] =	sst s0  }
0x18: {  	s0 =	sld [smem:$0x3F97];
	_ =	swait.ge [sflag:s4], $0x0  }
0x19: {  	s7 =	sld [smem:$0x3F98]  }
0x1a: {  	s8 =	sadd.s32 $0xFFFFE003, lr  }
0x1b: {  	s9 =	sadd.s32 $0xFFFFFEF7, lr;
	s5 =	simm.s32 $0xFFFFFFFF;
	p2 =	slt.u32 s8, $0xFFFFF086  }
0x1c: {  	p1 =	slt.u32 s9, $0xF7A;
	s5 =	simm.s32 @!p2 $0x0  }
0x1d: {  	s5 =	simm.s32 @p1 $0x1;
	p0 =	seq.s32 s7, s2  }
0x1e: {  	s7 =	smul.u32 @!p0 $0xF7A, s2;
	p2 =	seq.s32 @!p0 s5, $0x0  }
0x1f: {  	s9 =	smul.u32 $0xF7A, s1;
	s8 =	simm.s32 @!p0 $0x1BF5;
	p2 =	por !p2, p0  }
0x20: {  	[sflag:s8] =	ssyncset.s32 @!p0 $0xFFFFF086;
	s6 =	sadd.s32 @!p0 s3, s7;
	s7 =	simm.s32 @!p0 $0x108  }
0x21: {  	s3 =	sadd.s32 s3, s9;
	s6 =	sadd.s32 @!p0 $0x88, s6;
	s7 =	simm.s32 @p2 $0x1082  }
0x22: {  	[simem:s7], [sflag:s8] =	dma.local @!p0 [hbm:s6], $0xF7A  }
0x23: {  	s9 =	sor.u32 $0xD0000000, s2;
	s6 =	simm.s32 $0x108;
	_ =	swait.ge @!p0 [sflag:s8], $0x0  }
0x24: {  	s3 =	sadd.s32 $0x88, s3;
	s6 =	simm.s32 @!p1 $0x1082;
	[sflag:s4] =	ssyncset.s32 $0xFFFFF086  }
0x25: {  	[simem:s6], [sflag:s4] =	dma.local [hbm:s3], $0xF7A  }
0x26: {  	[smem:$0x3F98] =	sst s1;
	(tag) =	ssettag s2;
	_ =	strace s9  }
0x27: {  	s1 =	sld [smem:$0x3FA8]  }
0x28: {  	s2 =	sld [smem:$0x3FA9]  }
0x29: {  	s4 =	sld [smem:$0x3FAB]  }
0x2a: {  	p0 =	seq.s32 s5, $0x0;
	s5 =	sld [smem:$0x3FAC]  }
0x2b: {  	s6 =	sld [smem:$0x3FAD]  }
0x2c: {  	s7 =	sld [smem:$0x3FAE]  }
0x2d: {  	s3 =	simm.s32 $0x108;
	s8 =	sld [smem:$0x3FAF]  }
0x2e: {  	s3 =	simm.s32 @!p0 $0x1082;
	s9 =	sld [smem:$0x3FB0]  }
0x2f: {  	lr =	sadd.s32 s0, s3;
	s0 =	sld [smem:$0x3FA7]  }
0x30: {  	s3 =	sld [smem:$0x3FAA]  }
0x31: {  	[smem:$0x3FB3] =	sst s10  }
0x32: {  	s10 =	sld [smem:$0x3FB1];
	_ =	sdelay $0x3  }
0x33: {  	p0 =	seq.s32 s10, $0x1;
	s10 =	sld [smem:$0x3FB3];
	_ =	sdelay $0x3  }
0x34: {  	[smem:$0x3FB3] =	sst s10  }
0x35: {  	s10 =	sld [smem:$0x3FB2];
	_ =	sdelay $0x3  }
0x36: {  	p1 =	seq.s32 s10, $0x1;
	s10 =	sld [smem:$0x3FB3];
	_ =	sdelay $0x3  }
0x37: {  	[smem:$0x3FB3] =	sst s10  }
0x38: {  	s10 =	sld [smem:$0x3FB4]  }
0x39: {  	_ = 	snop;
	(pc) =	sbr.ind lr, $3  }
0x3a: {  	_ = 	snop  }
0x3b: {  	_ = 	snop  }
0x3c: {  	p2 =	seq.s32 s10, $0x1;
	s10 =	sld [smem:$0x3FB3]  }
0x3d: {  	_ =	shalt  }
0x3e: {  	_ =	shalt  }
0x3f: {  	_ =	shalt  }
0x40: {  	_ =	shalt  }
0x41: {  	_ =	shalt  }
0x42: {  	_ =	shalt  }
0x43: {  	_ =	shalt  }
0x44: {  	_ =	shalt  }
0x45: {  	_ =	shalt  }
0x46: {  	_ =	shalt  }
0x47: {  	_ =	shalt  }
0x48: {  	_ =	shalt  }
0x49: {  	_ =	shalt  }
0x4a: {  	_ =	shalt  }
0x4b: {  	_ =	shalt  }
0x4c: {  	_ =	shalt  }
0x4d: {  	_ =	shalt  }
0x4e: {  	_ =	shalt  }
0x4f: {  	_ =	shalt  }
0x50: {  	_ =	shalt  }
0x51: {  	_ =	shalt  }
0x52: {  	_ =	shalt  }
0x53: {  	_ =	shalt  }
0x54: {  	_ =	shalt  }
0x55: {  	_ =	shalt  }
0x56: {  	_ =	shalt  }
0x57: {  	_ =	shalt  }
0x58: {  	_ =	shalt  }
0x59: {  	_ =	shalt  }
0x5a: {  	_ =	shalt  }
0x5b: {  	_ =	shalt  }
0x5c: {  	_ =	shalt  }
0x5d: {  	_ =	shalt  }
0x5e: {  	_ =	shalt  }
0x5f: {  	_ =	shalt  }
0x60: {  	_ =	shalt  }
0x61: {  	_ =	shalt  }
0x62: {  	_ =	shalt  }
0x63: {  	_ =	shalt  }
0x64: {  	_ =	shalt  }
0x65: {  	_ =	shalt  }
0x66: {  	_ =	shalt  }
0x67: {  	_ =	shalt  }
0x68: {  	_ =	shalt  }
0x69: {  	_ =	shalt  }
0x6a: {  	_ =	shalt  }
0x6b: {  	_ =	shalt  }
0x6c: {  	_ =	shalt  }
0x6d: {  	_ =	shalt  }
0x6e: {  	_ =	shalt  }
0x6f: {  	_ =	shalt  }
0x70: {  	_ =	shalt  }
0x71: {  	_ =	shalt  }
0x72: {  	_ =	shalt  }
0x73: {  	_ =	shalt  }
0x74: {  	_ =	shalt  }
0x75: {  	_ =	shalt  }
0x76: {  	_ =	shalt  }
0x77: {  	_ =	shalt  }
0x78: {  	_ =	shalt  }
0x79: {  	_ =	shalt  }
0x7a: {  	_ =	shalt  }
0x7b: {  	_ =	shalt  }
0x7c: {  	_ =	shalt  }
0x7d: {  	_ =	shalt  }
0x7e: {  	_ =	shalt  }
0x7f: {  	_ =	shalt  }
0x80: {  	_ =	shalt  }
0x81: {  	_ =	shalt  }
0x82: {  	_ =	shalt  }
0x83: {  	_ =	shalt  }
0x84: {  	_ =	shalt  }
0x85: {  	_ =	shalt  }
0x86: {  	_ =	shalt  }
0x87: {  	_ =	shalt  }
.Lfunc_end0:
.L_simem_size_0:
called_computation_lowered:
.L_overlay_start_0:
0x88: {  	s2 =	sld [smem:$0x3FD9]  }
0x89: {  	s3 =	sld [smem:$0x3FFE];
	_ =	sdelay $0x1  }
0x8a: {  	s1 =	srdreg.scid  }
0x8b: {  	s0 =	sand.u32 $0x1, s1  }
0x8c: {  	s17 =	sshll.u32 s0, $0xA;
	s2 =	sadd.s32 s3, s2  }
0x8d: {  	s2 =	sadd.s32 s2, s17  }
0x8e: {  	[smem:$0x3FBF] =	sst s2  }
0x8f: {  	_ = 	snop  }
0x90: {  	s2 =	sld [smem:$0x3FD0];
	(tm) =	ssettm $0x1  }
0x91: {  	s18 =	sld [smem:$0x3FFB];
	_ =	sdelay $0x3  }
0x92: {  	_ =	strace s18  }
0x93: {  	s3 =	sld [smem:$0x3FFC];
	_ =	sdelay $0x3  }
0x94: {  	_ =	strace s3  }
0x95: {  	s3 =	sld [smem:$0x3FFD];
	_ =	sdelay $0x3  }
0x96: {  	_ =	strace s3  }
0x97: {  	_ =	strace $0x8FFFFFFF  }
0x98: {  	s19 =	sld [smem:$0x3FDB];
	_ =	sdelay $0x1  }
0x99: {  	s4 =	simm.s32 $_scs_section_size  }
0x9a: {  	s5 =	simm.s32 $_size__tile_overlayer_lowered;
	s6 =	simm.s32 $_tile_overlayer_lowered  }
0x9b: {  	s22 =	simm.s32 $0x1BFF;
	s21 =	sshll.u32 s6, $0x1;
	s3 =	sadd.s32 s4, s19  }
0x9c: {  	s7 =	simm.s32 $0x0;
	s20 =	sshll.u32 s5, $0x1;
	s5 =	sadd.s32 s21, s3  }
0x9d: {  	[timem:s7], [sflag:s22] =	dma.local [hbm:s5], s20  }
0x9e: {  	_ =	swait.ge [sflag:s22], s20  }
0x9f: {  	s4 =	ssub.s32 $0x0, s20;
	[sflag:s22] =	ssyncset.done $0x0  }
0xa0: {  	[sflag:s22] =	ssyncadd.s32 s4;
	_ =	sdelay $0x1  }
0xa1: {  	s23 =	simm.s32 $0x1B8B  }
0xa2: {  	_ =	swait.ge [sflag:s23], $0x1  }
0xa3: {  	[sflag:s23] =	ssyncset.done $0x0  }
0xa4: {  	s25 =	simm.s32 $0x1B8E;
	s24 =	sld [smem:$0x3FFE];
	[sflag:s23] =	ssyncadd.s32 $0xFFFFFFFF  }
0xa5: {  	s26 =	simm.s32 $execute0_lowered;
	[smem:$0x3FD2] =	sst s25  }
0xa6: {  	s5 =	sshll.u32 s26, $0x1;
	_ =	strace $0x80000046;
	[dreg:$0x1] =	wrdreg $0xFFFFFFFF  }
0xa7: {  	s28 =	simm.s32 $_size_execute0_lowered;
	s3 =	sadd.s32 s3, s5;
	[dreg:$0x0] =	wrdreg $0x0  }
0xa8: {  	s5 =	sshll.u32 s28, $0x1;
	[dreg:$0x2] =	wrdreg s3  }
0xa9: {  	[dreg:$0x3] =	wrdreg s5  }
0xaa: {  	[dreg:$0x4] =	wrdreg $0xC0  }
0xab: {  	_ =	task [dreg:s7], $0x5FFFF  }
0xac: {  	[dreg:$0x1] =	wrdreg $0xFFFFFFFF  }
0xad: {  	[dreg:$0x0] =	wrdreg $0x60  }
0xae: {  	[dreg:$0x2] =	wrdreg s2  }
0xaf: {  	[dreg:$0x3] =	wrdreg s24  }
0xb0: {  	[dreg:$0x4] =	wrdreg $0x0  }
0xb1: {  	[dreg:$0x5] =	wrdreg $0x9  }
0xb2: {  	_ =	task.clear_ibuf [dreg:s7], $0x6FFFF;
	_ =	strace $0x90000046  }
0xb3: {  	s29 =	simm.s32 $0x9;
	_ =	strace $0x80000048  }
0xb4: {  	_ =	swait.ge [sflag:s29], $0x1  }
0xb5: {  	[sflag:s29] =	ssyncadd.s32 $0xFFFFFFFF  }
0xb6: {  	_ =	strace $0x90000048  }
0xb7: {  	_ =	sfence  }
0xb8: {  	s30 =	sld [smem:$0x0];
	_ =	sdelay $0x2  }
0xb9: {  	s31 =	sshll.u32 s1, $0xD;
	s1 =	sshrl.u32 s1, $0x2  }
0xba: {  	s3 =	sand.u32 $0x4000, s31;
	s1 =	sadd.s32 s1, s30  }
0xbb: {  	s0 =	sor.u32 s3, s0;
	s1 =	sshll.u32 s1, $0x11  }
0xbc: {  	s0 =	sor.u32 s1, s0  }
0xbd: {  	s0 =	sadd.s32 $0x8F2B, s0  }
0xbe: {  	[sflag:s0] =	ssyncadd.remote.s32 $0x1  }
0xbf: {  	_ =	sfence.sel $0xFFFF  }
0xc0: {  	[dreg:$0x0] =	wrdreg $0xFFFFFFFF;
	(pc) =	sbr.abs _section_cstart, $3  }
0xc1: {  	[dreg:$0x1] =	wrdreg $0xFFFFFFFF  }
0xc2: {  	_ =	task.clear_ibuf [dreg:s7], $0x2FFFF;
	_ =	strace $0x9FFFFFFF  }
0xc3: {  	(tm) =	ssettm $0x7FFFFFFF  }
tec
execute0_lowered:
.L_overlay_start_1:
0x0: {  	(tag) =	ssettag $0x1  }
0x1: {  	s0 =	rddreg [dreg:$0x0]  }
0x2: {  	s1 =	rddreg [dreg:$0x1]  }
0x3: {  	s2 =	rddreg [dreg:$0x2]  }
0x4: {  	s12 =	stileid.u32;
	s5 =	srdreg.scid  }
0x5: {  	s3 =	simm.s32 $0x0;
	s15 =	simm.s32 $0x18700;
	s16 =	simm.s32 $0x18A40  }
0x6: {  	s17 =	simm.s32 $0x64;
	s18 =	simm.s32 $0x18768;
	s28 =	simm.s32 $0x1A980  }
0x7: {  	s29 =	simm.s32 $0x18970;
	s30 =	simm.s32 $0x1AFC0;
	s4 =	smul.u32 $0x18700, s12  }
0x8: {  	s31 =	simm.s32 $0x189D8;
	s6 =	smul.u32 $0x61A80, s12;
	s7 =	sand.u32 $0x1, s5  }
0x9: {  	[smem:$0x7FF] =	sst s3;
	s9 =	sadd.s32 $0xC00, s1;
	s11 =	smul.u32 $0x6590, s12  }
0xa: {  	s26 =	sshll.u32 s12, $0x6;
	s12 =	simm.s32 $0x1;
	s8 =	smul.u32 $0x187000, s7  }
0xb: {  	_ =	strace $0x80000047;
	[dreg:$0x4] =	wrdreg s9;
	s22 =	smul.u32 $0x32C8, s7  }
0xc: {  	s20 =	ssub.s32 $0x2, s7;
	s7 =	smul.u32 $0x30D40, s7;
	s13 =	sor.u32 $0x1C01, s26  }
0xd: {  	s26 =	simm.s32 $0x18908;
	s19 =	sshrl.u32 s4, $0x3;
	s6 =	sadd.s32 s6, s1  }
0xe: {  	s10 =	sshrl.u32 s20, $0x1;
	s0 =	sadd.s32 s11, s0;
	s11 =	simm.s32 $0x1BC40  }
0xf: {  	s5 =	sadd.s32 s19, s1;
	s8 =	sadd.s32 s4, s8;
	s21 =	ssub.s32 s20, s10  }
0x10: {  	s4 =	sadd.s32 s4, s2;
	s9 =	sadd.s32 s22, s0;
	s25 =	sadd.s32 s7, s6  }
0x11: {  	s19 =	simm.s32 $0x19080;
	s20 =	simm.s32 $0x187D0;
	s22 =	simm.s32 $0x18838  }
0x12: {  	s0 =	simm.s32 $0x1B600;
	s8 =	sshrl.u32 s8, $0x3;
	s5 =	sadd.s32 $0xE00, s5  }
0x13: {  	s24 =	smax.u32 s21, $0x1;
	s10 =	sadd.s32 $0x30D4E00, s25;
	s14 =	sshrl.u32 s4, $0x3  }
0x14: {  	s21 =	simm.s32 $0x196C0;
	s1 =	sadd.s32 s8, s1;
	[dreg:$0x5] =	wrdreg s5  }
0x15: {  	s25 =	simm.s32 $0x1A340;
	[dreg:$0x8] =	wrdreg s24;
	s23 =	sadd.s32 $0x93800, s1  }
0x16: {  	s24 =	simm.s32 $0x188A0;
	s1 =	sadd.s32 $0x31C00, s1;
	[dreg:$0x6] =	wrdreg s23  }
0x17: {  	[dreg:$0x7] =	wrdreg s1;
	s23 =	simm.s32 $0x19D00;
	s1 =	simm.s32 $0x0  }
.LBB2_1:
0x18: {  	s4 =	rddreg [dreg:$0x4]  }
0x19: {  	[tilespmem:s11], [sflag:$0x1] =	stream.linear.gather [hbm4b:s4+s3], $0x640, $0x38;
	[tilespmem:$0x1C280] =	vst v63  }
0x1a: {  	_ =	swait.ge [sflag:s12], $0x640  }
0x1b: {  	[sflag:s12] =	ssyncset.done $0x0  }
0x1c: {  	s7 =	rddreg [dreg:$0x5];
	[sflag:s12] =	ssyncadd.s32 $0xFFFFF9C0  }
0x1d: {  	[spmem:s14], [sflag:s13] =	dma.local [hbm:s7], $0x30E0  }
0x1e: {  	_ =	swait.ge [sflag:s12], $0x30E0  }
0x1f: {  	[sflag:s12] =	ssyncset.done $0x0  }
0x20: {  	[sflag:s12] =	ssyncadd.s32 $0xFFFFCF20  }
0x21: {  	s8 =	sadd.s32 $0x0, s9;
	[bflag:$0x0] =	sbarrier.arrive $0xFFFF  }
0x22: {  	[tilespmem:s15], [sflag:$0x1] =	stream.linear.gather [hbm4b:s8+s3], $0x340, $0x38;
	[tilespmem:$0x1C280] =	vst v63  }
0x23: {  	_ =	swait.ge [sflag:s12], $0x340  }
0x24: {  	[sflag:s12] =	ssyncset.done $0x0  }
0x25: {  	[sflag:s12] =	ssyncadd.s32 $0xFFFFFCC0  }
0x26: {  	[tilespmem:s16], [sflag:$0x1] =	stream.linear.gather [hbm4b:s10+s3], $0x3200, $0x38;
	[tilespmem:$0x1C280] =	vst v63  }
0x27: {  	_ =	swait.ge [sflag:s12], $0x3200  }
0x28: {  	[sflag:s12] =	ssyncset.done $0x0  }
0x29: {  	[sflag:s12] =	ssyncadd.s32 $0xFFFFCE00  }
0x2a: {  	[spmem:s2] =	stream.indirect.scatter.add.f32 [tilespmem:s16], [sflag:$0x1], $0x10, s15, s17, $0xb8;
	[tilespmem:$0x1C280] =	vst v63  }
0x2b: {  	_ =	swait.ge [sflag:s12], $0x640  }
0x2c: {  	[sflag:s12] =	ssyncset.done $0x0  }
0x2d: {  	[sflag:s12] =	ssyncadd.s32 $0xFFFFF9C0  }
0x2e: {  	[spmem:s2] =	stream.indirect.scatter.add.f32 [tilespmem:s19], [sflag:$0x1], $0x10, s18, s17, $0xb8;
	[tilespmem:$0x1C280] =	vst v63  }
0x2f: {  	_ =	swait.ge [sflag:s12], $0x640  }
0x30: {  	[sflag:s12] =	ssyncset.done $0x0  }
0x31: {  	[sflag:s12] =	ssyncadd.s32 $0xFFFFF9C0  }
0x32: {  	[spmem:s2] =	stream.indirect.scatter.add.f32 [tilespmem:s21], [sflag:$0x1], $0x10, s20, s17, $0xb8;
	[tilespmem:$0x1C280] =	vst v63  }
0x33: {  	_ =	swait.ge [sflag:s12], $0x640  }
0x34: {  	[sflag:s12] =	ssyncset.done $0x0  }
0x35: {  	[sflag:s12] =	ssyncadd.s32 $0xFFFFF9C0  }
0x36: {  	[spmem:s2] =	stream.indirect.scatter.add.f32 [tilespmem:s23], [sflag:$0x1], $0x10, s22, s17, $0xb8;
	[tilespmem:$0x1C280] =	vst v63  }
0x37: {  	_ =	swait.ge [sflag:s12], $0x640  }
0x38: {  	[sflag:s12] =	ssyncset.done $0x0  }
0x39: {  	[sflag:s12] =	ssyncadd.s32 $0xFFFFF9C0  }
0x3a: {  	[spmem:s2] =	stream.indirect.scatter.add.f32 [tilespmem:s25], [sflag:$0x1], $0x10, s24, s17, $0xb8;
	[tilespmem:$0x1C280] =	vst v63  }
0x3b: {  	_ =	swait.ge [sflag:s12], $0x640  }
0x3c: {  	[sflag:s12] =	ssyncset.done $0x0  }
0x3d: {  	[sflag:s12] =	ssyncadd.s32 $0xFFFFF9C0  }
0x3e: {  	[spmem:s2] =	stream.indirect.scatter.add.f32 [tilespmem:s28], [sflag:$0x1], $0x10, s26, s17, $0xb8;
	[tilespmem:$0x1C280] =	vst v63  }
0x3f: {  	_ =	swait.ge [sflag:s12], $0x640  }
0x40: {  	[sflag:s12] =	ssyncset.done $0x0  }
0x41: {  	[sflag:s12] =	ssyncadd.s32 $0xFFFFF9C0  }
0x42: {  	[spmem:s2] =	stream.indirect.scatter.add.f32 [tilespmem:s30], [sflag:$0x1], $0x10, s29, s17, $0xb8;
	[tilespmem:$0x1C280] =	vst v63  }
0x43: {  	_ =	swait.ge [sflag:s12], $0x640  }
0x44: {  	[sflag:s12] =	ssyncset.done $0x0  }
0x45: {  	[sflag:s12] =	ssyncadd.s32 $0xFFFFF9C0  }
0x46: {  	[spmem:s2] =	stream.indirect.scatter.add.f32 [tilespmem:s0], [sflag:$0x1], $0x10, s31, s17, $0xb8;
	[tilespmem:$0x1C280] =	vst v63  }
0x47: {  	s6 =	simm.s32 $0x68;
	_ =	swait.ge [sflag:s12], $0x640  }
0x48: {  	s4 =	sadd.s32 $0x640, s10;
	s7 =	simm.s32 $0xD0;
	[sflag:s12] =	ssyncset.done $0x0  }
.LBB2_2:
0x49: {  	s5 =	sadd.s32 s6, s9  }
0x4a: {  	[sflag:s12] =	ssyncadd.s32 $0xFFFFF9C0;
	s6 =	smov.u32 s7;
	s8 =	sadd.s32 $0x68, s7  }
0x4b: {  	[tilespmem:s15], [sflag:$0x1] =	stream.linear.gather [hbm4b:s5+s3], $0x340, $0x38;
	[tilespmem:$0x1C280] =	vst v63  }
0x4c: {  	p0 =	sne.s32 s7, $0x3260;
	_ =	swait.ge [sflag:s12], $0x340  }
0x4d: {  	[sflag:s12] =	ssyncset.done $0x0  }
0x4e: {  	[sflag:s12] =	ssyncadd.s32 $0xFFFFFCC0  }
0x4f: {  	[tilespmem:s16], [sflag:$0x1] =	stream.linear.gather [hbm4b:s4+s3], $0x3200, $0x38;
	[tilespmem:$0x1C280] =	vst v63  }
0x50: {  	_ =	swait.ge [sflag:s12], $0x3200  }
0x51: {  	[sflag:s12] =	ssyncset.done $0x0  }
0x52: {  	[sflag:s12] =	ssyncadd.s32 $0xFFFFCE00  }
0x53: {  	[spmem:s2] =	stream.indirect.scatter.add.f32 [tilespmem:s16], [sflag:$0x1], $0x10, s15, s17, $0xb8;
	[tilespmem:$0x1C280] =	vst v63  }
0x54: {  	_ =	swait.ge [sflag:s12], $0x640  }
0x55: {  	[sflag:s12] =	ssyncset.done $0x0  }
0x56: {  	[sflag:s12] =	ssyncadd.s32 $0xFFFFF9C0  }
0x57: {  	[spmem:s2] =	stream.indirect.scatter.add.f32 [tilespmem:s19], [sflag:$0x1], $0x10, s18, s17, $0xb8;
	[tilespmem:$0x1C280] =	vst v63  }
0x58: {  	_ =	swait.ge [sflag:s12], $0x640  }
0x59: {  	[sflag:s12] =	ssyncset.done $0x0  }
0x5a: {  	[sflag:s12] =	ssyncadd.s32 $0xFFFFF9C0  }
0x5b: {  	[spmem:s2] =	stream.indirect.scatter.add.f32 [tilespmem:s21], [sflag:$0x1], $0x10, s20, s17, $0xb8;
	[tilespmem:$0x1C280] =	vst v63  }
0x5c: {  	_ =	swait.ge [sflag:s12], $0x640  }
0x5d: {  	[sflag:s12] =	ssyncset.done $0x0  }
0x5e: {  	[sflag:s12] =	ssyncadd.s32 $0xFFFFF9C0  }
0x5f: {  	[spmem:s2] =	stream.indirect.scatter.add.f32 [tilespmem:s23], [sflag:$0x1], $0x10, s22, s17, $0xb8;
	[tilespmem:$0x1C280] =	vst v63  }
0x60: {  	_ =	swait.ge [sflag:s12], $0x640  }
0x61: {  	[sflag:s12] =	ssyncset.done $0x0  }
0x62: {  	[sflag:s12] =	ssyncadd.s32 $0xFFFFF9C0  }
0x63: {  	[spmem:s2] =	stream.indirect.scatter.add.f32 [tilespmem:s25], [sflag:$0x1], $0x10, s24, s17, $0xb8;
	[tilespmem:$0x1C280] =	vst v63  }
0x64: {  	_ =	swait.ge [sflag:s12], $0x640  }
0x65: {  	[sflag:s12] =	ssyncset.done $0x0  }
0x66: {  	[sflag:s12] =	ssyncadd.s32 $0xFFFFF9C0  }
0x67: {  	[spmem:s2] =	stream.indirect.scatter.add.f32 [tilespmem:s28], [sflag:$0x1], $0x10, s26, s17, $0xb8;
	[tilespmem:$0x1C280] =	vst v63  }
0x68: {  	_ =	swait.ge [sflag:s12], $0x640  }
0x69: {  	[sflag:s12] =	ssyncset.done $0x0  }
0x6a: {  	[sflag:s12] =	ssyncadd.s32 $0xFFFFF9C0  }
0x6b: {  	[spmem:s2] =	stream.indirect.scatter.add.f32 [tilespmem:s30], [sflag:$0x1], $0x10, s29, s17, $0xb8;
	[tilespmem:$0x1C280] =	vst v63  }
0x6c: {  	_ =	swait.ge [sflag:s12], $0x640  }
.Ltmp0:
0x6d: {  	[sflag:s12] =	ssyncset.done $0x0;
	(pc) =	sbr.rel @p0 .LBB2_2-.Ltmp0, $4  }
0x6e: {  	[sflag:s12] =	ssyncadd.s32 $0xFFFFF9C0  }
0x6f: {  	[spmem:s2] =	stream.indirect.scatter.add.f32 [tilespmem:s0], [sflag:$0x1], $0x10, s31, s17, $0xb8;
	[tilespmem:$0x1C280] =	vst v63  }
0x70: {  	_ =	swait.ge [sflag:s12], $0x640  }
0x71: {  	s7 =	smov.u32 s8;
	s4 =	sadd.s32 $0x640, s4;
	[sflag:s12] =	ssyncset.done $0x0  }
0x72: {  	s5 =	sadd.s32 s6, s9;
	[sflag:s12] =	ssyncadd.s32 $0xFFFFF9C0  }
0x73: {  	[tilespmem:s15], [sflag:$0x1] =	stream.linear.gather [hbm4b:s5+s3], $0x340, $0x38;
	[tilespmem:$0x1C280] =	vst v63  }
0x74: {  	_ =	swait.ge [sflag:s12], $0x340  }
0x75: {  	[sflag:s12] =	ssyncset.done $0x0  }
0x76: {  	[sflag:s12] =	ssyncadd.s32 $0xFFFFFCC0  }
0x77: {  	[tilespmem:s16], [sflag:$0x1] =	stream.linear.gather [hbm4b:s4+s3], $0x3200, $0x38;
	[tilespmem:$0x1C280] =	vst v63  }
0x78: {  	_ =	swait.ge [sflag:s12], $0x3200  }
0x79: {  	[sflag:s12] =	ssyncset.done $0x0  }
0x7a: {  	[sflag:s12] =	ssyncadd.s32 $0xFFFFCE00  }
0x7b: {  	[spmem:s2] =	stream.indirect.scatter.add.f32 [tilespmem:s16], [sflag:$0x1], $0x10, s15, s17, $0xb8;
	[tilespmem:$0x1C280] =	vst v63  }
0x7c: {  	_ =	swait.ge [sflag:s12], $0x640  }
0x7d: {  	[sflag:s12] =	ssyncset.done $0x0  }
0x7e: {  	[sflag:s12] =	ssyncadd.s32 $0xFFFFF9C0  }
0x7f: {  	[spmem:s2] =	stream.indirect.scatter.add.f32 [tilespmem:s19], [sflag:$0x1], $0x10, s18, s17, $0xb8;
	[tilespmem:$0x1C280] =	vst v63  }
0x80: {  	_ =	swait.ge [sflag:s12], $0x640  }
0x81: {  	[sflag:s12] =	ssyncset.done $0x0  }
0x82: {  	[sflag:s12] =	ssyncadd.s32 $0xFFFFF9C0  }
0x83: {  	[spmem:s2] =	stream.indirect.scatter.add.f32 [tilespmem:s21], [sflag:$0x1], $0x10, s20, s17, $0xb8;
	[tilespmem:$0x1C280] =	vst v63  }
0x84: {  	_ =	swait.ge [sflag:s12], $0x640  }
0x85: {  	[sflag:s12] =	ssyncset.done $0x0  }
0x86: {  	[sflag:s12] =	ssyncadd.s32 $0xFFFFF9C0  }
0x87: {  	[spmem:s2] =	stream.indirect.scatter.add.f32 [tilespmem:s23], [sflag:$0x1], $0x10, s22, s17, $0xb8;
	[tilespmem:$0x1C280] =	vst v63  }
0x88: {  	_ =	swait.ge [sflag:s12], $0x640  }
0x89: {  	[sflag:s12] =	ssyncset.done $0x0  }
0x8a: {  	[sflag:s12] =	ssyncadd.s32 $0xFFFFF9C0  }
0x8b: {  	[spmem:s2] =	stream.indirect.scatter.add.f32 [tilespmem:s25], [sflag:$0x1], $0x10, s24, s17, $0xb8;
	[tilespmem:$0x1C280] =	vst v63  }
0x8c: {  	_ =	swait.ge [sflag:s12], $0x640  }
0x8d: {  	[sflag:s12] =	ssyncset.done $0x0  }
0x8e: {  	[sflag:s12] =	ssyncadd.s32 $0xFFFFF9C0  }
0x8f: {  	[spmem:s2] =	stream.indirect.scatter.add.f32 [tilespmem:s28], [sflag:$0x1], $0x10, s26, s17, $0xb8;
	[tilespmem:$0x1C280] =	vst v63  }
0x90: {  	_ =	swait.ge [sflag:s12], $0x640  }
0x91: {  	[sflag:s12] =	ssyncset.done $0x0  }
0x92: {  	[sflag:s12] =	ssyncadd.s32 $0xFFFFF9C0  }
0x93: {  	[spmem:s2] =	stream.indirect.scatter.add.f32 [tilespmem:s30], [sflag:$0x1], $0x10, s29, s17, $0xb8;
	[tilespmem:$0x1C280] =	vst v63  }
0x94: {  	_ =	swait.ge [sflag:s12], $0x640  }
0x95: {  	[sflag:s12] =	ssyncset.done $0x0  }
0x96: {  	[sflag:s12] =	ssyncadd.s32 $0xFFFFF9C0  }
0x97: {  	[spmem:s2] =	stream.indirect.scatter.add.f32 [tilespmem:s0], [sflag:$0x1], $0x10, s31, s17, $0xb8;
	[tilespmem:$0x1C280] =	vst v63  }
0x98: {  	_ =	swait.ge [sflag:s12], $0x640  }
0x99: {  	[sflag:s12] =	ssyncset.done $0x0  }
0x9a: {  	[sflag:s12] =	ssyncadd.s32 $0xFFFFF9C0  }
0x9b: {  	[bflag:$0x0] =	sbarrier.arrive $0xFFFF  }
0x9c: {  	s6 =	rddreg [dreg:$0x6]  }
0x9d: {  	[hbm:s6], [sflag:s13] =	dma.local [spmem:s14], $0x30E0  }
0x9e: {  	_ =	swait.ge [sflag:s12], $0x30E0  }
0x9f: {  	[sflag:s12] =	ssyncset.done $0x0  }
0xa0: {  	[sflag:s12] =	ssyncadd.s32 $0xFFFFCF20  }
0xa1: {  	[bflag:$0x0] =	sbarrier.arrive $0xFFFF  }
0xa2: {  	s7 =	rddreg [dreg:$0x5]  }
0xa3: {  	[spmem:s14], [sflag:s13] =	dma.local [hbm:s7], $0x30E0  }
0xa4: {  	_ =	swait.ge [sflag:s12], $0x30E0  }
0xa5: {  	[sflag:s12] =	ssyncset.done $0x0  }
0xa6: {  	[sflag:s12] =	ssyncadd.s32 $0xFFFFCF20  }
0xa7: {  	s8 =	sadd.s32 $0x0, s9;
	[bflag:$0x0] =	sbarrier.arrive $0xFFFF  }
0xa8: {  	[tilespmem:s15], [sflag:$0x1] =	stream.linear.gather [hbm4b:s8+s3], $0x340, $0x38;
	[tilespmem:$0x1C280] =	vst v63  }
0xa9: {  	_ =	swait.ge [sflag:s12], $0x340  }
0xaa: {  	[sflag:s12] =	ssyncset.done $0x0  }
0xab: {  	[sflag:s12] =	ssyncadd.s32 $0xFFFFFCC0  }
0xac: {  	[spmem:s2] =	stream.indirect.scatter.add.f32 [tilespmem:s11], [sflag:$0x1], $0x10, s15, s17, $0xb8;
	[tilespmem:$0x1C280] =	vst v63  }
0xad: {  	_ =	swait.ge [sflag:s12], $0x640  }
0xae: {  	[sflag:s12] =	ssyncset.done $0x0  }
0xaf: {  	[sflag:s12] =	ssyncadd.s32 $0xFFFFF9C0  }
0xb0: {  	[spmem:s2] =	stream.indirect.scatter.add.f32 [tilespmem:s11], [sflag:$0x1], $0x10, s18, s17, $0xb8;
	[tilespmem:$0x1C280] =	vst v63  }
0xb1: {  	_ =	swait.ge [sflag:s12], $0x640  }
0xb2: {  	[sflag:s12] =	ssyncset.done $0x0  }
0xb3: {  	[sflag:s12] =	ssyncadd.s32 $0xFFFFF9C0  }
0xb4: {  	[spmem:s2] =	stream.indirect.scatter.add.f32 [tilespmem:s11], [sflag:$0x1], $0x10, s20, s17, $0xb8;
	[tilespmem:$0x1C280] =	vst v63  }
0xb5: {  	_ =	swait.ge [sflag:s12], $0x640  }
0xb6: {  	[sflag:s12] =	ssyncset.done $0x0  }
0xb7: {  	[sflag:s12] =	ssyncadd.s32 $0xFFFFF9C0  }
0xb8: {  	[spmem:s2] =	stream.indirect.scatter.add.f32 [tilespmem:s11], [sflag:$0x1], $0x10, s22, s17, $0xb8;
	[tilespmem:$0x1C280] =	vst v63  }
0xb9: {  	_ =	swait.ge [sflag:s12], $0x640  }
0xba: {  	[sflag:s12] =	ssyncset.done $0x0  }
0xbb: {  	[sflag:s12] =	ssyncadd.s32 $0xFFFFF9C0  }
0xbc: {  	[spmem:s2] =	stream.indirect.scatter.add.f32 [tilespmem:s11], [sflag:$0x1], $0x10, s24, s17, $0xb8;
	[tilespmem:$0x1C280] =	vst v63  }
0xbd: {  	_ =	swait.ge [sflag:s12], $0x640  }
0xbe: {  	[sflag:s12] =	ssyncset.done $0x0  }
0xbf: {  	[sflag:s12] =	ssyncadd.s32 $0xFFFFF9C0  }
0xc0: {  	[spmem:s2] =	stream.indirect.scatter.add.f32 [tilespmem:s11], [sflag:$0x1], $0x10, s26, s17, $0xb8;
	[tilespmem:$0x1C280] =	vst v63  }
0xc1: {  	_ =	swait.ge [sflag:s12], $0x640  }
0xc2: {  	[sflag:s12] =	ssyncset.done $0x0  }
0xc3: {  	[sflag:s12] =	ssyncadd.s32 $0xFFFFF9C0  }
0xc4: {  	[spmem:s2] =	stream.indirect.scatter.add.f32 [tilespmem:s11], [sflag:$0x1], $0x10, s29, s17, $0xb8;
	[tilespmem:$0x1C280] =	vst v63  }
0xc5: {  	_ =	swait.ge [sflag:s12], $0x640  }
0xc6: {  	[sflag:s12] =	ssyncset.done $0x0  }
0xc7: {  	[sflag:s12] =	ssyncadd.s32 $0xFFFFF9C0  }
0xc8: {  	[spmem:s2] =	stream.indirect.scatter.add.f32 [tilespmem:s11], [sflag:$0x1], $0x10, s31, s17, $0xb8;
	[tilespmem:$0x1C280] =	vst v63  }
0xc9: {  	_ =	swait.ge [sflag:s12], $0x640  }
0xca: {  	s4 =	simm.s32 $0x68;
	s7 =	simm.s32 $0xD0;
	[sflag:s12] =	ssyncset.done $0x0  }
.LBB2_4:
0xcb: {  	s5 =	sadd.s32 s4, s9  }
0xcc: {  	[sflag:s12] =	ssyncadd.s32 $0xFFFFF9C0;
	s4 =	smov.u32 s7;
	s6 =	sadd.s32 $0x68, s7  }
0xcd: {  	[tilespmem:s15], [sflag:$0x1] =	stream.linear.gather [hbm4b:s5+s3], $0x340, $0x38;
	[tilespmem:$0x1C280] =	vst v63  }
0xce: {  	p0 =	sne.s32 s7, $0x3260;
	_ =	swait.ge [sflag:s12], $0x340  }
0xcf: {  	[sflag:s12] =	ssyncset.done $0x0  }
0xd0: {  	[sflag:s12] =	ssyncadd.s32 $0xFFFFFCC0  }
0xd1: {  	[spmem:s2] =	stream.indirect.scatter.add.f32 [tilespmem:s11], [sflag:$0x1], $0x10, s15, s17, $0xb8;
	[tilespmem:$0x1C280] =	vst v63  }
0xd2: {  	_ =	swait.ge [sflag:s12], $0x640  }
0xd3: {  	[sflag:s12] =	ssyncset.done $0x0  }
0xd4: {  	[sflag:s12] =	ssyncadd.s32 $0xFFFFF9C0  }
0xd5: {  	[spmem:s2] =	stream.indirect.scatter.add.f32 [tilespmem:s11], [sflag:$0x1], $0x10, s18, s17, $0xb8;
	[tilespmem:$0x1C280] =	vst v63  }
0xd6: {  	_ =	swait.ge [sflag:s12], $0x640  }
0xd7: {  	[sflag:s12] =	ssyncset.done $0x0  }
0xd8: {  	[sflag:s12] =	ssyncadd.s32 $0xFFFFF9C0  }
0xd9: {  	[spmem:s2] =	stream.indirect.scatter.add.f32 [tilespmem:s11], [sflag:$0x1], $0x10, s20, s17, $0xb8;
	[tilespmem:$0x1C280] =	vst v63  }
0xda: {  	_ =	swait.ge [sflag:s12], $0x640  }
0xdb: {  	[sflag:s12] =	ssyncset.done $0x0  }
0xdc: {  	[sflag:s12] =	ssyncadd.s32 $0xFFFFF9C0  }
0xdd: {  	[spmem:s2] =	stream.indirect.scatter.add.f32 [tilespmem:s11], [sflag:$0x1], $0x10, s22, s17, $0xb8;
	[tilespmem:$0x1C280] =	vst v63  }
0xde: {  	_ =	swait.ge [sflag:s12], $0x640  }
0xdf: {  	[sflag:s12] =	ssyncset.done $0x0  }
0xe0: {  	[sflag:s12] =	ssyncadd.s32 $0xFFFFF9C0  }
0xe1: {  	[spmem:s2] =	stream.indirect.scatter.add.f32 [tilespmem:s11], [sflag:$0x1], $0x10, s24, s17, $0xb8;
	[tilespmem:$0x1C280] =	vst v63  }
0xe2: {  	_ =	swait.ge [sflag:s12], $0x640  }
0xe3: {  	[sflag:s12] =	ssyncset.done $0x0  }
0xe4: {  	[sflag:s12] =	ssyncadd.s32 $0xFFFFF9C0  }
0xe5: {  	[spmem:s2] =	stream.indirect.scatter.add.f32 [tilespmem:s11], [sflag:$0x1], $0x10, s26, s17, $0xb8;
	[tilespmem:$0x1C280] =	vst v63  }
0xe6: {  	_ =	swait.ge [sflag:s12], $0x640  }
0xe7: {  	[sflag:s12] =	ssyncset.done $0x0  }
0xe8: {  	[sflag:s12] =	ssyncadd.s32 $0xFFFFF9C0  }
0xe9: {  	[spmem:s2] =	stream.indirect.scatter.add.f32 [tilespmem:s11], [sflag:$0x1], $0x10, s29, s17, $0xb8;
	[tilespmem:$0x1C280] =	vst v63  }
0xea: {  	_ =	swait.ge [sflag:s12], $0x640  }
.Ltmp1:
0xeb: {  	[sflag:s12] =	ssyncset.done $0x0;
	(pc) =	sbr.rel @p0 .LBB2_4-.Ltmp1, $4  }
0xec: {  	[sflag:s12] =	ssyncadd.s32 $0xFFFFF9C0  }
0xed: {  	[spmem:s2] =	stream.indirect.scatter.add.f32 [tilespmem:s11], [sflag:$0x1], $0x10, s31, s17, $0xb8;
	[tilespmem:$0x1C280] =	vst v63  }
0xee: {  	_ =	swait.ge [sflag:s12], $0x640  }
0xef: {  	s7 =	smov.u32 s6;
	[sflag:s12] =	ssyncset.done $0x0  }
0xf0: {  	s4 =	sadd.s32 s4, s9;
	[sflag:s12] =	ssyncadd.s32 $0xFFFFF9C0  }
0xf1: {  	[tilespmem:s15], [sflag:$0x1] =	stream.linear.gather [hbm4b:s4+s3], $0x340, $0x38;
	[tilespmem:$0x1C280] =	vst v63  }
0xf2: {  	_ =	swait.ge [sflag:s12], $0x340  }
0xf3: {  	[sflag:s12] =	ssyncset.done $0x0  }
0xf4: {  	[sflag:s12] =	ssyncadd.s32 $0xFFFFFCC0  }
0xf5: {  	[spmem:s2] =	stream.indirect.scatter.add.f32 [tilespmem:s11], [sflag:$0x1], $0x10, s15, s17, $0xb8;
	[tilespmem:$0x1C280] =	vst v63  }
0xf6: {  	_ =	swait.ge [sflag:s12], $0x640  }
0xf7: {  	[sflag:s12] =	ssyncset.done $0x0  }
0xf8: {  	[sflag:s12] =	ssyncadd.s32 $0xFFFFF9C0  }
0xf9: {  	[spmem:s2] =	stream.indirect.scatter.add.f32 [tilespmem:s11], [sflag:$0x1], $0x10, s18, s17, $0xb8;
	[tilespmem:$0x1C280] =	vst v63  }
0xfa: {  	_ =	swait.ge [sflag:s12], $0x640  }
0xfb: {  	[sflag:s12] =	ssyncset.done $0x0  }
0xfc: {  	[sflag:s12] =	ssyncadd.s32 $0xFFFFF9C0  }
0xfd: {  	[spmem:s2] =	stream.indirect.scatter.add.f32 [tilespmem:s11], [sflag:$0x1], $0x10, s20, s17, $0xb8;
	[tilespmem:$0x1C280] =	vst v63  }
0xfe: {  	_ =	swait.ge [sflag:s12], $0x640  }
0xff: {  	[sflag:s12] =	ssyncset.done $0x0  }
0x100: {  	[sflag:s12] =	ssyncadd.s32 $0xFFFFF9C0  }
0x101: {  	[spmem:s2] =	stream.indirect.scatter.add.f32 [tilespmem:s11], [sflag:$0x1], $0x10, s22, s17, $0xb8;
	[tilespmem:$0x1C280] =	vst v63  }
0x102: {  	_ =	swait.ge [sflag:s12], $0x640  }
0x103: {  	[sflag:s12] =	ssyncset.done $0x0  }
0x104: {  	[sflag:s12] =	ssyncadd.s32 $0xFFFFF9C0  }
0x105: {  	[spmem:s2] =	stream.indirect.scatter.add.f32 [tilespmem:s11], [sflag:$0x1], $0x10, s24, s17, $0xb8;
	[tilespmem:$0x1C280] =	vst v63  }
0x106: {  	_ =	swait.ge [sflag:s12], $0x640  }
0x107: {  	[sflag:s12] =	ssyncset.done $0x0  }
0x108: {  	[sflag:s12] =	ssyncadd.s32 $0xFFFFF9C0  }
0x109: {  	[spmem:s2] =	stream.indirect.scatter.add.f32 [tilespmem:s11], [sflag:$0x1], $0x10, s26, s17, $0xb8;
	[tilespmem:$0x1C280] =	vst v63  }
0x10a: {  	_ =	swait.ge [sflag:s12], $0x640  }
0x10b: {  	[sflag:s12] =	ssyncset.done $0x0  }
0x10c: {  	[sflag:s12] =	ssyncadd.s32 $0xFFFFF9C0  }
0x10d: {  	[spmem:s2] =	stream.indirect.scatter.add.f32 [tilespmem:s11], [sflag:$0x1], $0x10, s29, s17, $0xb8;
	[tilespmem:$0x1C280] =	vst v63  }
0x10e: {  	_ =	swait.ge [sflag:s12], $0x640  }
0x10f: {  	[sflag:s12] =	ssyncset.done $0x0  }
0x110: {  	[sflag:s12] =	ssyncadd.s32 $0xFFFFF9C0  }
0x111: {  	[spmem:s2] =	stream.indirect.scatter.add.f32 [tilespmem:s11], [sflag:$0x1], $0x10, s31, s17, $0xb8;
	[tilespmem:$0x1C280] =	vst v63  }
0x112: {  	_ =	swait.ge [sflag:s12], $0x640  }
0x113: {  	[sflag:s12] =	ssyncset.done $0x0  }
0x114: {  	[sflag:s12] =	ssyncadd.s32 $0xFFFFF9C0  }
0x115: {  	[bflag:$0x0] =	sbarrier.arrive $0xFFFF  }
0x116: {  	s7 =	rddreg [dreg:$0x7]  }
0x117: {  	[hbm:s7], [sflag:s13] =	dma.local [spmem:s14], $0x30E0  }
0x118: {  	_ =	swait.ge [sflag:s12], $0x30E0  }
0x119: {  	s1 =	sadd.s32 $0x1, s1;
	s8 =	rddreg [dreg:$0x8]  }
0x11a: {  	p0 =	sne.s32 s1, s8  }
.Ltmp2:
0x11b: {  	_ = 	snop;
	(pc) =	sbr.rel @p0 .LBB2_1-.Ltmp2, $3  }
0x11c: {  	_ =	sdelay $0x1  }
0x11d: {  	[sflag:s12] =	ssyncset.done $0x0  }
0x11e: {  	[sflag:s12] =	ssyncadd.s32 $0xFFFFCF20  }
0x11f: {  	_ =	sfence.sel $0x180000  }
0x120: {  	[bflag:$0x0] =	sbarrier.arrive $0xFFFF  }
0x121: {  	_ =	strace $0x90000047  }
0x122: {  	s0 =	stileid.u32;
	[bflag:$0x2] =	sbarrier.arrive $0xFFFF  }
0x123: {  	p0 =	sne.s32 s0, $0x0;
	s0 =	rddreg [dreg:$0x3]  }
0x124: {  	s0 =	sadd.s32 @!p0 $0x100000, s0  }
0x125: {  	[sflag:s0] =	ssyncadd.tile.s32 @!p0 $0x1;
	_ =	shalt  }
.Lfunc_end2:
_tile_overlayer_lowered:
.L_overlay_start_2:
0x126: {  	(tag) =	ssettag $0x2  }
0x127: {  	s0 =	rddreg [dreg:$0x0];
	s2 =	stileid.u32  }
0x128: {  	s1 =	rddreg [dreg:$0x1];
	p0 =	sne.s32 s2, $0x0  }
0x129: {  	s3 =	rddreg [dreg:$0x2];
	[bflag:$0x3] =	sbarrier.arrive $0xFFFF;
	s2 =	simm.s32 @!p0 $0x1C01  }
0x12a: {  	[timem:s3], [sflag:s2] =	dma.local @!p0 [hbm:s0], s1  }
0x12b: {  	s0 =	simm.s32 @!p0 $0x1  }
0x12c: {  	_ =	swait.ge @!p0 [sflag:s0], s1  }
0x12d: {  	s1 =	ssub.s32 @!p0 $0x0, s1;
	[sflag:s0] =	ssyncset.done @!p0 $0x0  }
0x12e: {  	[sflag:s0] =	ssyncadd.s32 @!p0 s1  }
0x12f: {  	[bflag:$0x3] =	sbarrier.arrive $0xFFFF  }
0x130: {  	_ =	shalt  }

</sc_bundles>
